<compile_context>
chip_gen: v7x
topology: tpu7x:2x2x1
jax: 0.10.2.dev20260603
libtpu: 0.0.44.dev20260713+nightly
codegen_flags: <defaults>
</compile_context>

<pallas_src>
import jax
import jax.numpy as jnp
from jax import lax
from jax.experimental import pallas as pl
from jax.experimental.pallas import tpu as pltpu
from jax.experimental.pallas import tpu_sc as plsc

N = 10000
E = 320000
D = 128

NC = 2
NS = 16
NW = NC * NS

CH = 128
CPW = 80
HALF = CPW // 2
PADDED_E = NW * CPW * CH
EPW = E // NW
PPW = CPW * CH - EPW
XPAD = 256

ROWS_PER_TILE = 624
ZCH = 104
ZREPS = ROWS_PER_TILE // ZCH
ROWS_TAIL = N - NS * ROWS_PER_TILE


def _scale_body(f_ref, n_ref, o_ref):
    o_ref[pl.ds(0, N)] = f_ref[...] * n_ref[...]
    o_ref[pl.ds(N, XPAD)] = jnp.zeros((XPAD, D), jnp.float32)


def _scale(features, norm):
    return pl.pallas_call(
        _scale_body,
        out_shape=jax.ShapeDtypeStruct((N + XPAD, D), jnp.float32),
    )(features, norm)


def _sc_seg_sum_body(x_hbm, src_hbm, dst_hbm, out_hbm,
                     idx_s, idx_d, r0, r1, acc, sg0, sg1):
    c = lax.axis_index("c")
    s = lax.axis_index("s")
    w = c * NS + s

    z16 = jnp.zeros((16,), jnp.float32)

    def zrows(i, carry):
        r = i // (D // 16)
        col = (i % (D // 16)) * 16
        r1[r, pl.ds(col, 16)] = z16
        return carry

    lax.fori_loop(0, ZCH * (D // 16), zrows, 0)

    def zacc(k, carry):
        base = s * ROWS_PER_TILE + k * ZCH
        pltpu.sync_copy(r1.at[pl.ds(0, ZCH)], acc.at[pl.ds(base, ZCH)])
        return carry

    lax.fori_loop(0, ZREPS, zacc, 0)

    @pl.when(s == 0)
    def _():
        pltpu.sync_copy(r1.at[pl.ds(0, ROWS_TAIL)],
                        acc.at[pl.ds(NS * ROWS_PER_TILE, ROWS_TAIL)])

    plsc.subcore_barrier()

    def wait_gather(j, rbuf, sem):
        pltpu.make_async_copy(x_hbm.at[idx_s.at[j]], rbuf, sem).wait()

    def body(k, carry):
        j0 = 2 * k
        pltpu.async_copy(x_hbm.at[idx_s.at[j0 + 1]], r1, sg1)
        wait_gather(j0, r0, sg0)
        pltpu.sync_copy(r0, acc.at[idx_d.at[j0]], add=True)
        pltpu.async_copy(x_hbm.at[idx_s.at[j0 + 2]], r0, sg0)
        wait_gather(j0 + 1, r1, sg1)
        pltpu.sync_copy(r1, acc.at[idx_d.at[j0 + 1]], add=True)
        return carry

    for p in range(CPW // HALF):
        pltpu.sync_copy(src_hbm.at[w, pl.ds(p * HALF, HALF)], idx_s)
        pltpu.sync_copy(dst_hbm.at[w, pl.ds(p * HALF, HALF)], idx_d)
        pltpu.async_copy(x_hbm.at[idx_s.at[0]], r0, sg0)

        lax.fori_loop(0, HALF // 2 - 1, body, 0)

        pltpu.async_copy(x_hbm.at[idx_s.at[HALF - 1]], r1, sg1)
        wait_gather(HALF - 2, r0, sg0)
        pltpu.sync_copy(r0, acc.at[idx_d.at[HALF - 2]], add=True)
        wait_gather(HALF - 1, r1, sg1)
        pltpu.sync_copy(r1, acc.at[idx_d.at[HALF - 1]], add=True)

    plsc.subcore_barrier()

    def wb(k, carry):
        base = s * ROWS_PER_TILE + k * ZCH
        pltpu.sync_copy(acc.at[pl.ds(base, ZCH)],
                        out_hbm.at[c, pl.ds(base, ZCH)])
        return carry

    lax.fori_loop(0, ZREPS, wb, 0)

    @pl.when(s == 0)
    def _():
        pltpu.sync_copy(acc.at[pl.ds(NS * ROWS_PER_TILE, ROWS_TAIL)],
                        out_hbm.at[c, pl.ds(NS * ROWS_PER_TILE, ROWS_TAIL)])


def _sc_seg_sum(x, src3, dst3):
    mesh = plsc.VectorSubcoreMesh(core_axis_name="c", subcore_axis_name="s")
    return pl.kernel(
        _sc_seg_sum_body,
        mesh=mesh,
        out_type=jax.ShapeDtypeStruct((NC, N, D), jnp.float32),
        scratch_types=[
            pltpu.VMEM((HALF, CH), jnp.int32),
            pltpu.VMEM((HALF, CH), jnp.int32),
            pltpu.VMEM((CH, D), jnp.float32),
            pltpu.VMEM((CH, D), jnp.float32),
            pltpu.VMEM_SHARED((N + XPAD, D), jnp.float32),
            pltpu.SemaphoreType.DMA,
            pltpu.SemaphoreType.DMA,
        ],
    )(x, src3, dst3)


def _dense_body(p_ref, f_ref, n_ref, w_ref, b_ref, g_ref, be_ref, o_ref):
    agg = p_ref[0] + p_ref[1]
    h = jnp.dot(agg, w_ref[...], preferred_element_type=jnp.float32)
    h = h + b_ref[...]
    h = h * n_ref[...]
    mean = jnp.mean(h, axis=0, keepdims=True)
    var = jnp.mean((h - mean) ** 2, axis=0, keepdims=True)
    h = (h - mean) / jnp.sqrt(var + 1e-5) * g_ref[...] + be_ref[...]
    h = jnp.maximum(h, 0.0)
    o_ref[...] = f_ref[...] + h


def _dense(partials, features, norm, W, b, gamma, beta):
    return pl.pallas_call(
        _dense_body,
        out_shape=jax.ShapeDtypeStruct((N, D), jnp.float32),
    )(partials, features, norm, W,
      b.reshape(1, D), gamma.reshape(1, D), beta.reshape(1, D))


def kernel(features, edge_index, norm, W, b, gamma, beta):
    ei = edge_index.astype(jnp.int32)
    pad = N + (jnp.arange(NW * PPW, dtype=jnp.int32) % XPAD).reshape(NW, PPW)
    src3 = jnp.concatenate([ei[0].reshape(NW, EPW), pad], axis=1)
    dst3 = jnp.concatenate([ei[1].reshape(NW, EPW), pad], axis=1)
    x = _scale(features, norm)
    partials = _sc_seg_sum(x, src3.reshape(NW, CPW, CH),
                           dst3.reshape(NW, CPW, CH))
    return _dense(partials, features, norm, W, b, gamma, beta)

# --- scband reference (transcript-rebuilt; emitter-appended) ---
"""Pipeline reference for scband-gcnlayer-8418135900202 (READ-ONLY COPY).

The authoritative reference and input builder live on the scoring server;
editing this copy changes nothing except your own understanding.
"""

import jax, jax.numpy as jnp
import numpy as np

N = 10000
E = 320000
D = 128

def setup_inputs(seed: int = 0) -> dict:
    key = jax.random.key(seed)
    k1, k2, k3, k4, k5 = jax.random.split(key, 5)
    features = jax.random.normal(k1, (N, D), dtype=jnp.float32)
    edge_index = jax.random.randint(k2, (2, E), 0, N, dtype=jnp.int64)
    norm = jax.random.uniform(k3, (N, 1), dtype=jnp.float32)
    # learned params: apply_func = Linear(D, D); batchnorm affine params
    W = jax.random.normal(k4, (D, D), dtype=jnp.float32) * (1.0 / np.sqrt(D))
    b = jnp.zeros((D,), dtype=jnp.float32)
    gamma = jnp.ones((D,), dtype=jnp.float32)
    beta = jnp.zeros((D,), dtype=jnp.float32)
    return {"features": features, "edge_index": edge_index, "norm": norm,
            "W": W, "b": b, "gamma": gamma, "beta": beta}

def reference(features, edge_index, norm, W, b, gamma, beta):
    h_in = features
    # features = features * norm
    x = features * norm
    # g.update_all(copy_src('h' -> 'm'), sum('m' -> 'h')): gather from src, scatter-add to dst
    src = edge_index[0]
    dst = edge_index[1]
    msgs = jnp.take(x, src, axis=0)               # gather [E, D]
    agg = jax.ops.segment_sum(msgs, dst, num_segments=N)  # scatter-add [N, D]
    # apply_nodes: linear transform
    h = agg @ W + b
    # h = h * norm
    h = h * norm
    # batch norm (training-mode statistics), affine
    mean = jnp.mean(h, axis=0)
    var = jnp.var(h, axis=0)
    h = (h - mean) / jnp.sqrt(var + 1e-5) * gamma + beta
    # activation
    h = jax.nn.relu(h)
    # residual (indim == outdim)
    h = h_in + h
    # dropout p=0.0 -> identity
    return h

if __name__ == "__main__":
    import jax
    _d = setup_inputs()
    print(jax.jit(kernel)(*tuple(_d.values())))

</pallas_src>

<mosaic_0001>
#map = affine_map<(d0, d1) -> (0, 0)>
#map1 = affine_map<(d0, d1) -> (0, 0, 0)>
module attributes {stable_mosaic.version = 14 : i64} {
  func.func @_sc_seg_sum_body(%arg0: i32, %arg1: i32, %arg2: memref<10256x128xf32, #tpu.memory_space<hbm>>, %arg3: memref<32x80x128xi32, #tpu.memory_space<hbm>>, %arg4: memref<32x80x128xi32, #tpu.memory_space<hbm>>, %arg5: memref<2x10000x128xf32, #tpu.memory_space<hbm>>, %arg6: memref<40x128xi32, #tpu.memory_space<vmem>>, %arg7: memref<40x128xi32, #tpu.memory_space<vmem>>, %arg8: memref<128x128xf32, #tpu.memory_space<vmem>>, %arg9: memref<128x128xf32, #tpu.memory_space<vmem>>, %arg10: memref<10256x128xf32, #tpu.memory_space<vmem_shared>>, %arg11: memref<!tpu.dma_semaphore, #tpu.memory_space<semaphore_mem>>, %arg12: memref<!tpu.dma_semaphore, #tpu.memory_space<semaphore_mem>>) attributes {dimension_semantics = [#tpu.dimension_semantics<core_parallel>, #tpu.dimension_semantics<subcore_parallel>], iteration_bounds = array<i64: 2, 16>, scalar_prefetch = 0 : i64, scratch_operands = 7 : i64, tpu.core_type = #tpu.core_type<sc_vector_subcore>, window_params = [{transform_indices = #map}, {transform_indices = #map1}, {transform_indices = #map1}, {transform_indices = #map1}]} {
    %mul3A = arith.constant 16 : i32
    %mul3A_0 = arith.muli %arg0, %mul3A : i32
    %add3A = arith.addi %mul3A_0, %arg1 : i32
    %broadcast_in_dim3A = arith.constant 0.000000e+00 : f32
    %broadcast_in_dim3A_1 = vector.broadcast %broadcast_in_dim3A : f32 to vector<16xf32>
    %scan3A = arith.constant 0 : i32
    %scan3A_2 = arith.constant 0 : i32
    %scan3A_3 = arith.constant 832 : i32
    %scan3A_4 = arith.addi %scan3A_2, %scan3A_3 : i32
    %scan3A_5 = arith.constant 1 : i32
    scf.for %scan3A_96 = %scan3A_2 to %scan3A_4 step %scan3A_5  : i32 {
      %jit3A = arith.constant 8 : i32
      %div3A = arith.divsi %scan3A_96, %jit3A : i32
      %sign3A = arith.constant 0 : i32
      %sign3A_97 = arith.cmpi sgt, %scan3A_96, %sign3A : i32
      %sign3A_98 = arith.extui %sign3A_97 : i1 to i32
      %sign3A_99 = arith.constant 0 : i32
      %sign3A_100 = arith.cmpi slt, %scan3A_96, %sign3A_99 : i32
      %sign3A_101 = arith.extui %sign3A_100 : i1 to i32
      %sign3A_102 = arith.subi %sign3A_98, %sign3A_101 : i32
      %sign3A_103 = arith.constant 0 : i32
      %sign3A_104 = arith.cmpi sgt, %jit3A, %sign3A_103 : i32
      %sign3A_105 = arith.extui %sign3A_104 : i1 to i32
      %sign3A_106 = arith.constant 0 : i32
      %sign3A_107 = arith.cmpi slt, %jit3A, %sign3A_106 : i32
      %sign3A_108 = arith.extui %sign3A_107 : i1 to i32
      %sign3A_109 = arith.subi %sign3A_105, %sign3A_108 : i32
      %ne3A = arith.cmpi ne, %sign3A_102, %sign3A_109 : i32
      %rem3A = arith.remsi %scan3A_96, %jit3A : i32
      %ne3A_110 = arith.constant 0 : i32
      %ne3A_111 = arith.cmpi ne, %rem3A, %ne3A_110 : i32
      %and3A = arith.andi %ne3A, %ne3A_111 : i1
      %sub3A = arith.constant 1 : i32
      %sub3A_112 = arith.subi %div3A, %sub3A : i32
      %select_n3A = arith.select %and3A, %sub3A_112, %div3A : i32
      %jit3A_113 = arith.constant 8 : i32
      %eq3A_114 = arith.constant 0 : i32
      %eq3A_115 = arith.cmpi eq, %jit3A_113, %eq3A_114 : i32
      %jit3A_116 = arith.constant 1 : i32
      %select_n3A_117 = arith.select %eq3A_115, %jit3A_116, %jit3A_113 : i32
      %rem3A_118 = arith.remsi %scan3A_96, %select_n3A_117 : i32
      %ne3A_119 = arith.constant 0 : i32
      %ne3A_120 = arith.cmpi ne, %rem3A_118, %ne3A_119 : i32
      %lt3A = arith.constant 0 : i32
      %lt3A_121 = arith.cmpi slt, %rem3A_118, %lt3A : i32
      %lt3A_122 = arith.constant 0 : i32
      %lt3A_123 = arith.cmpi slt, %select_n3A_117, %lt3A_122 : i32
      %ne3A_124 = arith.xori %lt3A_121, %lt3A_123 : i1
      %and3A_125 = arith.andi %ne3A_124, %ne3A_120 : i1
      %add3A_126 = arith.addi %rem3A_118, %select_n3A_117 : i32
      %select_n3A_127 = arith.select %and3A_125, %add3A_126, %rem3A_118 : i32
      %mul3A_128 = arith.constant 16 : i32
      %mul3A_129 = arith.muli %select_n3A_127, %mul3A_128 : i32
      %swap3A = arith.index_cast %select_n3A : i32 to index
      %swap3A_130 = arith.index_cast %mul3A_129 : i32 to index
      %swap3A_131 = tpu.vector_load %arg9[%swap3A, %swap3A_130] {strides = array<i32>} : memref<128x128xf32, #tpu.memory_space<vmem>>, vector<1x16xf32>,
      %swap3A_132 = vector.shape_cast %swap3A_131 : vector<1x16xf32> to vector<16xf32>
      %swap3A_133 = vector.shape_cast %broadcast_in_dim3A_1 : vector<16xf32> to vector<1x16xf32>
      tpu.vector_store %arg9[%swap3A, %swap3A_130], %swap3A_133 {strides = array<i32>} : memref<128x128xf32, #tpu.memory_space<vmem>>, vector<1x16xf32>,
    }
    %scan3A_6 = arith.constant 832 : i32
    %scan3A_7 = arith.constant 0 : i32
    %scan3A_8 = arith.constant 0 : i32
    %scan3A_9 = arith.constant 6 : i32
    %scan3A_10 = arith.addi %scan3A_8, %scan3A_9 : i32
    %scan3A_11 = arith.constant 1 : i32
    scf.for %scan3A_96 = %scan3A_8 to %scan3A_10 step %scan3A_11  : i32 {
      %mul3A_97 = arith.constant 624 : i32
      %mul3A_98 = arith.muli %arg1, %mul3A_97 : i32
      %mul3A_99 = arith.constant 104 : i32
      %mul3A_100 = arith.muli %scan3A_96, %mul3A_99 : i32
      %add3A_101 = arith.addi %mul3A_98, %mul3A_100 : i32
      "tpu.region"() ({
        %run_scoped3A_102 = tpu.sem_alloc : memref<!tpu.dma_semaphore, #tpu.memory_space<semaphore_mem>>
        %dma_start3A_103 = arith.constant 0 : i32
        %dma_start3A_104 = arith.constant 0 : i32
        %dma_start3A_105 = tpu.memref_slice %arg9[%dma_start3A_103, %dma_start3A_104] : memref<128x128xf32, #tpu.memory_space<vmem>> -> memref<104x128xf32, #tpu.memory_space<vmem>>
        %dma_start3A_106 = arith.constant 0 : i32
        %dma_start3A_107 = tpu.memref_slice %arg10[%add3A_101, %dma_start3A_106] : memref<10256x128xf32, #tpu.memory_space<vmem_shared>> -> memref<104x128xf32, #tpu.memory_space<vmem_shared>>
        %dma_start3A_108 = arith.constant 0 : i32
        %dma_start3A_109 = tpu.memref_slice %arg10[%add3A_101, %dma_start3A_108] : memref<10256x128xf32, #tpu.memory_space<vmem_shared>> -> memref<104x128xf32, #tpu.memory_space<vmem_shared>>
        %dma_start3A_110 = arith.constant 0 : i32
        %dma_start3A_111 = arith.constant 0 : i32
        %dma_start3A_112 = tpu.memref_slice %arg9[%dma_start3A_110, %dma_start3A_111] : memref<128x128xf32, #tpu.memory_space<vmem>> -> memref<104x128xf32, #tpu.memory_space<vmem>>
        tpu.enqueue_dma source(%dma_start3A_112 : memref<104x128xf32, #tpu.memory_space<vmem>>) target(%dma_start3A_109 : memref<104x128xf32, #tpu.memory_space<vmem_shared>>) target_semaphore(%run_scoped3A_102 : memref<!tpu.dma_semaphore, #tpu.memory_space<semaphore_mem>>)
        %dma_wait3A_113 = arith.constant 0 : i32
        %dma_wait3A_114 = arith.constant 0 : i32
        %dma_wait3A_115 = tpu.memref_slice %arg9[%dma_wait3A_113, %dma_wait3A_114] : memref<128x128xf32, #tpu.memory_space<vmem>> -> memref<104x128xf32, #tpu.memory_space<vmem>>
        %dma_wait3A_116 = arith.constant 0 : i32
        %dma_wait3A_117 = tpu.memref_slice %arg10[%add3A_101, %dma_wait3A_116] : memref<10256x128xf32, #tpu.memory_space<vmem_shared>> -> memref<104x128xf32, #tpu.memory_space<vmem_shared>>
        %dma_wait3A_118 = arith.constant 0 : i32
        %dma_wait3A_119 = tpu.memref_slice %arg10[%add3A_101, %dma_wait3A_118] : memref<10256x128xf32, #tpu.memory_space<vmem_shared>> -> memref<104x128xf32, #tpu.memory_space<vmem_shared>>
        %dma_wait3A_120 = arith.constant 0 : i32
        %dma_wait3A_121 = arith.constant 0 : i32
        %dma_wait3A_122 = tpu.memref_slice %arg9[%dma_wait3A_120, %dma_wait3A_121] : memref<128x128xf32, #tpu.memory_space<vmem>> -> memref<104x128xf32, #tpu.memory_space<vmem>>
        tpu.wait_dma2 semaphore(%run_scoped3A_102 : memref<!tpu.dma_semaphore, #tpu.memory_space<semaphore_mem>>) src(%dma_wait3A_122 : memref<104x128xf32, #tpu.memory_space<vmem>>) dst(%dma_wait3A_119 : memref<104x128xf32, #tpu.memory_space<vmem_shared>>)
        tpu.yield
      }) : () -> ()
    }
    %scan3A_12 = arith.constant 6 : i32
    %eq3A = arith.constant 0 : i32
    %eq3A_13 = arith.cmpi eq, %arg1, %eq3A : i32
    %convert_element_type3A = arith.extui %eq3A_13 : i1 to i32
    %cond3A = arith.constant 0 : i32
    %cond3A_14 = arith.cmpi ne, %convert_element_type3A, %cond3A : i32
    scf.if %cond3A_14 {
      "tpu.region"() ({
        %run_scoped3A_96 = tpu.sem_alloc : memref<!tpu.dma_semaphore, #tpu.memory_space<semaphore_mem>>
        %dma_start3A_97 = arith.constant 0 : i32
        %dma_start3A_98 = arith.constant 0 : i32
        %dma_start3A_99 = tpu.memref_slice %arg9[%dma_start3A_97, %dma_start3A_98] : memref<128x128xf32, #tpu.memory_space<vmem>> -> memref<16x128xf32, #tpu.memory_space<vmem>>
        %dma_start3A_100 = arith.constant 9984 : i32
        %dma_start3A_101 = arith.constant 0 : i32
        %dma_start3A_102 = tpu.memref_slice %arg10[%dma_start3A_100, %dma_start3A_101] : memref<10256x128xf32, #tpu.memory_space<vmem_shared>> -> memref<16x128xf32, #tpu.memory_space<vmem_shared>>
        %dma_start3A_103 = arith.constant 9984 : i32
        %dma_start3A_104 = arith.constant 0 : i32
        %dma_start3A_105 = tpu.memref_slice %arg10[%dma_start3A_103, %dma_start3A_104] : memref<10256x128xf32, #tpu.memory_space<vmem_shared>> -> memref<16x128xf32, #tpu.memory_space<vmem_shared>>
        %dma_start3A_106 = arith.constant 0 : i32
        %dma_start3A_107 = arith.constant 0 : i32
        %dma_start3A_108 = tpu.memref_slice %arg9[%dma_start3A_106, %dma_start3A_107] : memref<128x128xf32, #tpu.memory_space<vmem>> -> memref<16x128xf32, #tpu.memory_space<vmem>>
        tpu.enqueue_dma source(%dma_start3A_108 : memref<16x128xf32, #tpu.memory_space<vmem>>) target(%dma_start3A_105 : memref<16x128xf32, #tpu.memory_space<vmem_shared>>) target_semaphore(%run_scoped3A_96 : memref<!tpu.dma_semaphore, #tpu.memory_space<semaphore_mem>>)
        %dma_wait3A_109 = arith.constant 0 : i32
        %dma_wait3A_110 = arith.constant 0 : i32
        %dma_wait3A_111 = tpu.memref_slice %arg9[%dma_wait3A_109, %dma_wait3A_110] : memref<128x128xf32, #tpu.memory_space<vmem>> -> memref<16x128xf32, #tpu.memory_space<vmem>>
        %dma_wait3A_112 = arith.constant 9984 : i32
        %dma_wait3A_113 = arith.constant 0 : i32
        %dma_wait3A_114 = tpu.memref_slice %arg10[%dma_wait3A_112, %dma_wait3A_113] : memref<10256x128xf32, #tpu.memory_space<vmem_shared>> -> memref<16x128xf32, #tpu.memory_space<vmem_shared>>
        %dma_wait3A_115 = arith.constant 9984 : i32
        %dma_wait3A_116 = arith.constant 0 : i32
        %dma_wait3A_117 = tpu.memref_slice %arg10[%dma_wait3A_115, %dma_wait3A_116] : memref<10256x128xf32, #tpu.memory_space<vmem_shared>> -> memref<16x128xf32, #tpu.memory_space<vmem_shared>>
        %dma_wait3A_118 = arith.constant 0 : i32
        %dma_wait3A_119 = arith.constant 0 : i32
        %dma_wait3A_120 = tpu.memref_slice %arg9[%dma_wait3A_118, %dma_wait3A_119] : memref<128x128xf32, #tpu.memory_space<vmem>> -> memref<16x128xf32, #tpu.memory_space<vmem>>
        tpu.wait_dma2 semaphore(%run_scoped3A_96 : memref<!tpu.dma_semaphore, #tpu.memory_space<semaphore_mem>>) src(%dma_wait3A_120 : memref<16x128xf32, #tpu.memory_space<vmem>>) dst(%dma_wait3A_117 : memref<16x128xf32, #tpu.memory_space<vmem_shared>>)
        tpu.yield
      }) : () -> ()
    } else {
    }
    %barrier3A = arith.constant 0 : index
    tpu.barrier barrier_id(%barrier3A)
    "tpu.region"() ({
      %run_scoped3A_96 = tpu.sem_alloc : memref<!tpu.dma_semaphore, #tpu.memory_space<semaphore_mem>>
      %dma_start3A_97 = arith.constant 0 : i32
      %dma_start3A_98 = arith.constant 0 : i32
      %dma_start3A_99 = tpu.memref_slice %arg3[%add3A, %dma_start3A_97, %dma_start3A_98] : memref<32x80x128xi32, #tpu.memory_space<hbm>> -> memref<1x40x128xi32, #tpu.memory_space<hbm>>
      %dma_start3A_100 = tpu.memref_squeeze %dma_start3A_99 : memref<1x40x128xi32, #tpu.memory_space<hbm>> -> memref<40x128xi32, #tpu.memory_space<hbm>>
      %dma_start3A_101 = arith.constant 0 : i32
      %dma_start3A_102 = arith.constant 0 : i32
      %dma_start3A_103 = tpu.memref_slice %arg3[%add3A, %dma_start3A_101, %dma_start3A_102] : memref<32x80x128xi32, #tpu.memory_space<hbm>> -> memref<1x40x128xi32, #tpu.memory_space<hbm>>
      %dma_start3A_104 = tpu.memref_squeeze %dma_start3A_103 : memref<1x40x128xi32, #tpu.memory_space<hbm>> -> memref<40x128xi32, #tpu.memory_space<hbm>>
      tpu.enqueue_dma source(%dma_start3A_104 : memref<40x128xi32, #tpu.memory_space<hbm>>) target(%arg6 : memref<40x128xi32, #tpu.memory_space<vmem>>) target_semaphore(%run_scoped3A_96 : memref<!tpu.dma_semaphore, #tpu.memory_space<semaphore_mem>>)
      %dma_wait3A_105 = arith.constant 0 : i32
      %dma_wait3A_106 = arith.constant 0 : i32
      %dma_wait3A_107 = tpu.memref_slice %arg3[%add3A, %dma_wait3A_105, %dma_wait3A_106] : memref<32x80x128xi32, #tpu.memory_space<hbm>> -> memref<1x40x128xi32, #tpu.memory_space<hbm>>
      %dma_wait3A_108 = tpu.memref_squeeze %dma_wait3A_107 : memref<1x40x128xi32, #tpu.memory_space<hbm>> -> memref<40x128xi32, #tpu.memory_space<hbm>>
      %dma_wait3A_109 = arith.constant 0 : i32
      %dma_wait3A_110 = arith.constant 0 : i32
      %dma_wait3A_111 = tpu.memref_slice %arg3[%add3A, %dma_wait3A_109, %dma_wait3A_110] : memref<32x80x128xi32, #tpu.memory_space<hbm>> -> memref<1x40x128xi32, #tpu.memory_space<hbm>>
      %dma_wait3A_112 = tpu.memref_squeeze %dma_wait3A_111 : memref<1x40x128xi32, #tpu.memory_space<hbm>> -> memref<40x128xi32, #tpu.memory_space<hbm>>
      tpu.wait_dma2 semaphore(%run_scoped3A_96 : memref<!tpu.dma_semaphore, #tpu.memory_space<semaphore_mem>>) src(%dma_wait3A_112 : memref<40x128xi32, #tpu.memory_space<hbm>>) dst(%arg6 : memref<40x128xi32, #tpu.memory_space<vmem>>)
      tpu.yield
    }) : () -> ()
    "tpu.region"() ({
      %run_scoped3A_96 = tpu.sem_alloc : memref<!tpu.dma_semaphore, #tpu.memory_space<semaphore_mem>>
      %dma_start3A_97 = arith.constant 0 : i32
      %dma_start3A_98 = arith.constant 0 : i32
      %dma_start3A_99 = tpu.memref_slice %arg4[%add3A, %dma_start3A_97, %dma_start3A_98] : memref<32x80x128xi32, #tpu.memory_space<hbm>> -> memref<1x40x128xi32, #tpu.memory_space<hbm>>
      %dma_start3A_100 = tpu.memref_squeeze %dma_start3A_99 : memref<1x40x128xi32, #tpu.memory_space<hbm>> -> memref<40x128xi32, #tpu.memory_space<hbm>>
      %dma_start3A_101 = arith.constant 0 : i32
      %dma_start3A_102 = arith.constant 0 : i32
      %dma_start3A_103 = tpu.memref_slice %arg4[%add3A, %dma_start3A_101, %dma_start3A_102] : memref<32x80x128xi32, #tpu.memory_space<hbm>> -> memref<1x40x128xi32, #tpu.memory_space<hbm>>
      %dma_start3A_104 = tpu.memref_squeeze %dma_start3A_103 : memref<1x40x128xi32, #tpu.memory_space<hbm>> -> memref<40x128xi32, #tpu.memory_space<hbm>>
      tpu.enqueue_dma source(%dma_start3A_104 : memref<40x128xi32, #tpu.memory_space<hbm>>) target(%arg7 : memref<40x128xi32, #tpu.memory_space<vmem>>) target_semaphore(%run_scoped3A_96 : memref<!tpu.dma_semaphore, #tpu.memory_space<semaphore_mem>>)
      %dma_wait3A_105 = arith.constant 0 : i32
      %dma_wait3A_106 = arith.constant 0 : i32
      %dma_wait3A_107 = tpu.memref_slice %arg4[%add3A, %dma_wait3A_105, %dma_wait3A_106] : memref<32x80x128xi32, #tpu.memory_space<hbm>> -> memref<1x40x128xi32, #tpu.memory_space<hbm>>
      %dma_wait3A_108 = tpu.memref_squeeze %dma_wait3A_107 : memref<1x40x128xi32, #tpu.memory_space<hbm>> -> memref<40x128xi32, #tpu.memory_space<hbm>>
      %dma_wait3A_109 = arith.constant 0 : i32
      %dma_wait3A_110 = arith.constant 0 : i32
      %dma_wait3A_111 = tpu.memref_slice %arg4[%add3A, %dma_wait3A_109, %dma_wait3A_110] : memref<32x80x128xi32, #tpu.memory_space<hbm>> -> memref<1x40x128xi32, #tpu.memory_space<hbm>>
      %dma_wait3A_112 = tpu.memref_squeeze %dma_wait3A_111 : memref<1x40x128xi32, #tpu.memory_space<hbm>> -> memref<40x128xi32, #tpu.memory_space<hbm>>
      tpu.wait_dma2 semaphore(%run_scoped3A_96 : memref<!tpu.dma_semaphore, #tpu.memory_space<semaphore_mem>>) src(%dma_wait3A_112 : memref<40x128xi32, #tpu.memory_space<hbm>>) dst(%arg7 : memref<40x128xi32, #tpu.memory_space<vmem>>)
      tpu.yield
    }) : () -> ()
    %dma_start3A = arith.constant 0 : i32
    %dma_start3A_15 = arith.constant 0 : i32
    %dma_start3A_16 = tpu.memref_slice %arg6[%dma_start3A, %dma_start3A_15] : memref<40x128xi32, #tpu.memory_space<vmem>> -> memref<1x128xi32, #tpu.memory_space<vmem>>
    %dma_start3A_17 = tpu.memref_squeeze %dma_start3A_16 : memref<1x128xi32, #tpu.memory_space<vmem>> -> memref<128xi32, #tpu.memory_space<vmem>>
    %dma_start3A_18 = arith.constant 0 : i32
    %dma_start3A_19 = arith.constant 0 : i32
    %dma_start3A_20 = tpu.memref_slice %arg2[%dma_start3A_18, %dma_start3A_19] : memref<10256x128xf32, #tpu.memory_space<hbm>> -> memref<10256x128xf32, #tpu.memory_space<hbm>>
    tpu.enqueue_indirect_dma source(%dma_start3A_20 : memref<10256x128xf32, #tpu.memory_space<hbm>>) target(%arg8 : memref<128x128xf32, #tpu.memory_space<vmem>>) offsets(%dma_start3A_17 : memref<128xi32, #tpu.memory_space<vmem>>) semaphore(%arg11 : memref<!tpu.dma_semaphore, #tpu.memory_space<semaphore_mem>>)
    %scan3A_21 = arith.constant 0 : i32
    %scan3A_22 = arith.constant 0 : i32
    %scan3A_23 = arith.constant 19 : i32
    %scan3A_24 = arith.addi %scan3A_22, %scan3A_23 : i32
    %scan3A_25 = arith.constant 1 : i32
    scf.for %scan3A_96 = %scan3A_22 to %scan3A_24 step %scan3A_25  : i32 {
      %mul3A_97 = arith.constant 2 : i32
      %mul3A_98 = arith.muli %mul3A_97, %scan3A_96 : i32
      %add3A_99 = arith.constant 1 : i32
      %add3A_100 = arith.addi %mul3A_98, %add3A_99 : i32
      %dma_start3A_101 = arith.constant 0 : i32
      %dma_start3A_102 = tpu.memref_slice %arg6[%add3A_100, %dma_start3A_101] : memref<40x128xi32, #tpu.memory_space<vmem>> -> memref<1x128xi32, #tpu.memory_space<vmem>>
      %dma_start3A_103 = tpu.memref_squeeze %dma_start3A_102 : memref<1x128xi32, #tpu.memory_space<vmem>> -> memref<128xi32, #tpu.memory_space<vmem>>
      %dma_start3A_104 = arith.constant 0 : i32
      %dma_start3A_105 = arith.constant 0 : i32
      %dma_start3A_106 = tpu.memref_slice %arg2[%dma_start3A_104, %dma_start3A_105] : memref<10256x128xf32, #tpu.memory_space<hbm>> -> memref<10256x128xf32, #tpu.memory_space<hbm>>
      tpu.enqueue_indirect_dma source(%dma_start3A_106 : memref<10256x128xf32, #tpu.memory_space<hbm>>) target(%arg9 : memref<128x128xf32, #tpu.memory_space<vmem>>) offsets(%dma_start3A_103 : memref<128xi32, #tpu.memory_space<vmem>>) semaphore(%arg12 : memref<!tpu.dma_semaphore, #tpu.memory_space<semaphore_mem>>)
      %dma_wait3A_107 = arith.constant 0 : i32
      %dma_wait3A_108 = tpu.memref_slice %arg6[%mul3A_98, %dma_wait3A_107] : memref<40x128xi32, #tpu.memory_space<vmem>> -> memref<1x128xi32, #tpu.memory_space<vmem>>
      %dma_wait3A_109 = tpu.memref_squeeze %dma_wait3A_108 : memref<1x128xi32, #tpu.memory_space<vmem>> -> memref<128xi32, #tpu.memory_space<vmem>>
      %dma_wait3A_110 = arith.constant 0 : i32
      %dma_wait3A_111 = arith.constant 0 : i32
      %dma_wait3A_112 = tpu.memref_slice %arg2[%dma_wait3A_110, %dma_wait3A_111] : memref<10256x128xf32, #tpu.memory_space<hbm>> -> memref<10256x128xf32, #tpu.memory_space<hbm>>
      tpu.wait_indirect_dma semaphore(%arg11 : memref<!tpu.dma_semaphore, #tpu.memory_space<semaphore_mem>>) src(%dma_wait3A_112 : memref<10256x128xf32, #tpu.memory_space<hbm>>) dst(%arg8 : memref<128x128xf32, #tpu.memory_space<vmem>>)
      "tpu.region"() ({
        %run_scoped3A_131 = tpu.sem_alloc : memref<!tpu.dma_semaphore, #tpu.memory_space<semaphore_mem>>
        %dma_start3A_132 = arith.constant 0 : i32
        %dma_start3A_133 = tpu.memref_slice %arg7[%mul3A_98, %dma_start3A_132] : memref<40x128xi32, #tpu.memory_space<vmem>> -> memref<1x128xi32, #tpu.memory_space<vmem>>
        %dma_start3A_134 = tpu.memref_squeeze %dma_start3A_133 : memref<1x128xi32, #tpu.memory_space<vmem>> -> memref<128xi32, #tpu.memory_space<vmem>>
        %dma_start3A_135 = arith.constant 0 : i32
        %dma_start3A_136 = arith.constant 0 : i32
        %dma_start3A_137 = tpu.memref_slice %arg10[%dma_start3A_135, %dma_start3A_136] : memref<10256x128xf32, #tpu.memory_space<vmem_shared>> -> memref<10256x128xf32, #tpu.memory_space<vmem_shared>>
        tpu.enqueue_indirect_dma source(%arg8 : memref<128x128xf32, #tpu.memory_space<vmem>>) target(%dma_start3A_137 : memref<10256x128xf32, #tpu.memory_space<vmem_shared>>) offsets(%dma_start3A_134 : memref<128xi32, #tpu.memory_space<vmem>>) semaphore(%run_scoped3A_131 : memref<!tpu.dma_semaphore, #tpu.memory_space<semaphore_mem>>) {add = true}
        %dma_wait3A_138 = arith.constant 0 : i32
        %dma_wait3A_139 = tpu.memref_slice %arg7[%mul3A_98, %dma_wait3A_138] : memref<40x128xi32, #tpu.memory_space<vmem>> -> memref<1x128xi32, #tpu.memory_space<vmem>>
        %dma_wait3A_140 = tpu.memref_squeeze %dma_wait3A_139 : memref<1x128xi32, #tpu.memory_space<vmem>> -> memref<128xi32, #tpu.memory_space<vmem>>
        %dma_wait3A_141 = arith.constant 0 : i32
        %dma_wait3A_142 = arith.constant 0 : i32
        %dma_wait3A_143 = tpu.memref_slice %arg10[%dma_wait3A_141, %dma_wait3A_142] : memref<10256x128xf32, #tpu.memory_space<vmem_shared>> -> memref<10256x128xf32, #tpu.memory_space<vmem_shared>>
        tpu.wait_indirect_dma semaphore(%run_scoped3A_131 : memref<!tpu.dma_semaphore, #tpu.memory_space<semaphore_mem>>) src(%arg8 : memref<128x128xf32, #tpu.memory_space<vmem>>) dst(%dma_wait3A_143 : memref<10256x128xf32, #tpu.memory_space<vmem_shared>>)
        tpu.yield
      }) : () -> ()
      %add3A_113 = arith.constant 2 : i32
      %add3A_114 = arith.addi %mul3A_98, %add3A_113 : i32
      %dma_start3A_115 = arith.constant 0 : i32
      %dma_start3A_116 = tpu.memref_slice %arg6[%add3A_114, %dma_start3A_115] : memref<40x128xi32, #tpu.memory_space<vmem>> -> memref<1x128xi32, #tpu.memory_space<vmem>>
      %dma_start3A_117 = tpu.memref_squeeze %dma_start3A_116 : memref<1x128xi32, #tpu.memory_space<vmem>> -> memref<128xi32, #tpu.memory_space<vmem>>
      %dma_start3A_118 = arith.constant 0 : i32
      %dma_start3A_119 = arith.constant 0 : i32
      %dma_start3A_120 = tpu.memref_slice %arg2[%dma_start3A_118, %dma_start3A_119] : memref<10256x128xf32, #tpu.memory_space<hbm>> -> memref<10256x128xf32, #tpu.memory_space<hbm>>
      tpu.enqueue_indirect_dma source(%dma_start3A_120 : memref<10256x128xf32, #tpu.memory_space<hbm>>) target(%arg8 : memref<128x128xf32, #tpu.memory_space<vmem>>) offsets(%dma_start3A_117 : memref<128xi32, #tpu.memory_space<vmem>>) semaphore(%arg11 : memref<!tpu.dma_semaphore, #tpu.memory_space<semaphore_mem>>)
      %add3A_121 = arith.constant 1 : i32
      %add3A_122 = arith.addi %mul3A_98, %add3A_121 : i32
      %dma_wait3A_123 = arith.constant 0 : i32
      %dma_wait3A_124 = tpu.memref_slice %arg6[%add3A_122, %dma_wait3A_123] : memref<40x128xi32, #tpu.memory_space<vmem>> -> memref<1x128xi32, #tpu.memory_space<vmem>>
      %dma_wait3A_125 = tpu.memref_squeeze %dma_wait3A_124 : memref<1x128xi32, #tpu.memory_space<vmem>> -> memref<128xi32, #tpu.memory_space<vmem>>
      %dma_wait3A_126 = arith.constant 0 : i32
      %dma_wait3A_127 = arith.constant 0 : i32
      %dma_wait3A_128 = tpu.memref_slice %arg2[%dma_wait3A_126, %dma_wait3A_127] : memref<10256x128xf32, #tpu.memory_space<hbm>> -> memref<10256x128xf32, #tpu.memory_space<hbm>>
      tpu.wait_indirect_dma semaphore(%arg12 : memref<!tpu.dma_semaphore, #tpu.memory_space<semaphore_mem>>) src(%dma_wait3A_128 : memref<10256x128xf32, #tpu.memory_space<hbm>>) dst(%arg9 : memref<128x128xf32, #tpu.memory_space<vmem>>)
      %add3A_129 = arith.constant 1 : i32
      %add3A_130 = arith.addi %mul3A_98, %add3A_129 : i32
      "tpu.region"() ({
        %run_scoped3A_131 = tpu.sem_alloc : memref<!tpu.dma_semaphore, #tpu.memory_space<semaphore_mem>>
        %dma_start3A_132 = arith.constant 0 : i32
        %dma_start3A_133 = tpu.memref_slice %arg7[%add3A_130, %dma_start3A_132] : memref<40x128xi32, #tpu.memory_space<vmem>> -> memref<1x128xi32, #tpu.memory_space<vmem>>
        %dma_start3A_134 = tpu.memref_squeeze %dma_start3A_133 : memref<1x128xi32, #tpu.memory_space<vmem>> -> memref<128xi32, #tpu.memory_space<vmem>>
        %dma_start3A_135 = arith.constant 0 : i32
        %dma_start3A_136 = arith.constant 0 : i32
        %dma_start3A_137 = tpu.memref_slice %arg10[%dma_start3A_135, %dma_start3A_136] : memref<10256x128xf32, #tpu.memory_space<vmem_shared>> -> memref<10256x128xf32, #tpu.memory_space<vmem_shared>>
        tpu.enqueue_indirect_dma source(%arg9 : memref<128x128xf32, #tpu.memory_space<vmem>>) target(%dma_start3A_137 : memref<10256x128xf32, #tpu.memory_space<vmem_shared>>) offsets(%dma_start3A_134 : memref<128xi32, #tpu.memory_space<vmem>>) semaphore(%run_scoped3A_131 : memref<!tpu.dma_semaphore, #tpu.memory_space<semaphore_mem>>) {add = true}
        %dma_wait3A_138 = arith.constant 0 : i32
        %dma_wait3A_139 = tpu.memref_slice %arg7[%add3A_130, %dma_wait3A_138] : memref<40x128xi32, #tpu.memory_space<vmem>> -> memref<1x128xi32, #tpu.memory_space<vmem>>
        %dma_wait3A_140 = tpu.memref_squeeze %dma_wait3A_139 : memref<1x128xi32, #tpu.memory_space<vmem>> -> memref<128xi32, #tpu.memory_space<vmem>>
        %dma_wait3A_141 = arith.constant 0 : i32
        %dma_wait3A_142 = arith.constant 0 : i32
        %dma_wait3A_143 = tpu.memref_slice %arg10[%dma_wait3A_141, %dma_wait3A_142] : memref<10256x128xf32, #tpu.memory_space<vmem_shared>> -> memref<10256x128xf32, #tpu.memory_space<vmem_shared>>
        tpu.wait_indirect_dma semaphore(%run_scoped3A_131 : memref<!tpu.dma_semaphore, #tpu.memory_space<semaphore_mem>>) src(%arg9 : memref<128x128xf32, #tpu.memory_space<vmem>>) dst(%dma_wait3A_143 : memref<10256x128xf32, #tpu.memory_space<vmem_shared>>)
        tpu.yield
      }) : () -> ()
    }
    %scan3A_26 = arith.constant 19 : i32
    %dma_start3A_27 = arith.constant 39 : i32
    %dma_start3A_28 = arith.constant 0 : i32
    %dma_start3A_29 = tpu.memref_slice %arg6[%dma_start3A_27, %dma_start3A_28] : memref<40x128xi32, #tpu.memory_space<vmem>> -> memref<1x128xi32, #tpu.memory_space<vmem>>
    %dma_start3A_30 = tpu.memref_squeeze %dma_start3A_29 : memref<1x128xi32, #tpu.memory_space<vmem>> -> memref<128xi32, #tpu.memory_space<vmem>>
    %dma_start3A_31 = arith.constant 0 : i32
    %dma_start3A_32 = arith.constant 0 : i32
    %dma_start3A_33 = tpu.memref_slice %arg2[%dma_start3A_31, %dma_start3A_32] : memref<10256x128xf32, #tpu.memory_space<hbm>> -> memref<10256x128xf32, #tpu.memory_space<hbm>>
    tpu.enqueue_indirect_dma source(%dma_start3A_33 : memref<10256x128xf32, #tpu.memory_space<hbm>>) target(%arg9 : memref<128x128xf32, #tpu.memory_space<vmem>>) offsets(%dma_start3A_30 : memref<128xi32, #tpu.memory_space<vmem>>) semaphore(%arg12 : memref<!tpu.dma_semaphore, #tpu.memory_space<semaphore_mem>>)
    %dma_wait3A = arith.constant 38 : i32
    %dma_wait3A_34 = arith.constant 0 : i32
    %dma_wait3A_35 = tpu.memref_slice %arg6[%dma_wait3A, %dma_wait3A_34] : memref<40x128xi32, #tpu.memory_space<vmem>> -> memref<1x128xi32, #tpu.memory_space<vmem>>
    %dma_wait3A_36 = tpu.memref_squeeze %dma_wait3A_35 : memref<1x128xi32, #tpu.memory_space<vmem>> -> memref<128xi32, #tpu.memory_space<vmem>>
    %dma_wait3A_37 = arith.constant 0 : i32
    %dma_wait3A_38 = arith.constant 0 : i32
    %dma_wait3A_39 = tpu.memref_slice %arg2[%dma_wait3A_37, %dma_wait3A_38] : memref<10256x128xf32, #tpu.memory_space<hbm>> -> memref<10256x128xf32, #tpu.memory_space<hbm>>
    tpu.wait_indirect_dma semaphore(%arg11 : memref<!tpu.dma_semaphore, #tpu.memory_space<semaphore_mem>>) src(%dma_wait3A_39 : memref<10256x128xf32, #tpu.memory_space<hbm>>) dst(%arg8 : memref<128x128xf32, #tpu.memory_space<vmem>>)
    %run_scoped3A = arith.constant 38 : i32
    "tpu.region"() ({
      %run_scoped3A_96 = tpu.sem_alloc : memref<!tpu.dma_semaphore, #tpu.memory_space<semaphore_mem>>
      %dma_start3A_97 = arith.constant 0 : i32
      %dma_start3A_98 = tpu.memref_slice %arg7[%run_scoped3A, %dma_start3A_97] : memref<40x128xi32, #tpu.memory_space<vmem>> -> memref<1x128xi32, #tpu.memory_space<vmem>>
      %dma_start3A_99 = tpu.memref_squeeze %dma_start3A_98 : memref<1x128xi32, #tpu.memory_space<vmem>> -> memref<128xi32, #tpu.memory_space<vmem>>
      %dma_start3A_100 = arith.constant 0 : i32
      %dma_start3A_101 = arith.constant 0 : i32
      %dma_start3A_102 = tpu.memref_slice %arg10[%dma_start3A_100, %dma_start3A_101] : memref<10256x128xf32, #tpu.memory_space<vmem_shared>> -> memref<10256x128xf32, #tpu.memory_space<vmem_shared>>
      tpu.enqueue_indirect_dma source(%arg8 : memref<128x128xf32, #tpu.memory_space<vmem>>) target(%dma_start3A_102 : memref<10256x128xf32, #tpu.memory_space<vmem_shared>>) offsets(%dma_start3A_99 : memref<128xi32, #tpu.memory_space<vmem>>) semaphore(%run_scoped3A_96 : memref<!tpu.dma_semaphore, #tpu.memory_space<semaphore_mem>>) {add = true}
      %dma_wait3A_103 = arith.constant 0 : i32
      %dma_wait3A_104 = tpu.memref_slice %arg7[%run_scoped3A, %dma_wait3A_103] : memref<40x128xi32, #tpu.memory_space<vmem>> -> memref<1x128xi32, #tpu.memory_space<vmem>>
      %dma_wait3A_105 = tpu.memref_squeeze %dma_wait3A_104 : memref<1x128xi32, #tpu.memory_space<vmem>> -> memref<128xi32, #tpu.memory_space<vmem>>
      %dma_wait3A_106 = arith.constant 0 : i32
      %dma_wait3A_107 = arith.constant 0 : i32
      %dma_wait3A_108 = tpu.memref_slice %arg10[%dma_wait3A_106, %dma_wait3A_107] : memref<10256x128xf32, #tpu.memory_space<vmem_shared>> -> memref<10256x128xf32, #tpu.memory_space<vmem_shared>>
      tpu.wait_indirect_dma semaphore(%run_scoped3A_96 : memref<!tpu.dma_semaphore, #tpu.memory_space<semaphore_mem>>) src(%arg8 : memref<128x128xf32, #tpu.memory_space<vmem>>) dst(%dma_wait3A_108 : memref<10256x128xf32, #tpu.memory_space<vmem_shared>>)
      tpu.yield
    }) : () -> ()
    %dma_wait3A_40 = arith.constant 39 : i32
    %dma_wait3A_41 = arith.constant 0 : i32
    %dma_wait3A_42 = tpu.memref_slice %arg6[%dma_wait3A_40, %dma_wait3A_41] : memref<40x128xi32, #tpu.memory_space<vmem>> -> memref<1x128xi32, #tpu.memory_space<vmem>>
    %dma_wait3A_43 = tpu.memref_squeeze %dma_wait3A_42 : memref<1x128xi32, #tpu.memory_space<vmem>> -> memref<128xi32, #tpu.memory_space<vmem>>
    %dma_wait3A_44 = arith.constant 0 : i32
    %dma_wait3A_45 = arith.constant 0 : i32
    %dma_wait3A_46 = tpu.memref_slice %arg2[%dma_wait3A_44, %dma_wait3A_45] : memref<10256x128xf32, #tpu.memory_space<hbm>> -> memref<10256x128xf32, #tpu.memory_space<hbm>>
    tpu.wait_indirect_dma semaphore(%arg12 : memref<!tpu.dma_semaphore, #tpu.memory_space<semaphore_mem>>) src(%dma_wait3A_46 : memref<10256x128xf32, #tpu.memory_space<hbm>>) dst(%arg9 : memref<128x128xf32, #tpu.memory_space<vmem>>)
    %run_scoped3A_47 = arith.constant 39 : i32
    "tpu.region"() ({
      %run_scoped3A_96 = tpu.sem_alloc : memref<!tpu.dma_semaphore, #tpu.memory_space<semaphore_mem>>
      %dma_start3A_97 = arith.constant 0 : i32
      %dma_start3A_98 = tpu.memref_slice %arg7[%run_scoped3A_47, %dma_start3A_97] : memref<40x128xi32, #tpu.memory_space<vmem>> -> memref<1x128xi32, #tpu.memory_space<vmem>>
      %dma_start3A_99 = tpu.memref_squeeze %dma_start3A_98 : memref<1x128xi32, #tpu.memory_space<vmem>> -> memref<128xi32, #tpu.memory_space<vmem>>
      %dma_start3A_100 = arith.constant 0 : i32
      %dma_start3A_101 = arith.constant 0 : i32
      %dma_start3A_102 = tpu.memref_slice %arg10[%dma_start3A_100, %dma_start3A_101] : memref<10256x128xf32, #tpu.memory_space<vmem_shared>> -> memref<10256x128xf32, #tpu.memory_space<vmem_shared>>
      tpu.enqueue_indirect_dma source(%arg9 : memref<128x128xf32, #tpu.memory_space<vmem>>) target(%dma_start3A_102 : memref<10256x128xf32, #tpu.memory_space<vmem_shared>>) offsets(%dma_start3A_99 : memref<128xi32, #tpu.memory_space<vmem>>) semaphore(%run_scoped3A_96 : memref<!tpu.dma_semaphore, #tpu.memory_space<semaphore_mem>>) {add = true}
      %dma_wait3A_103 = arith.constant 0 : i32
      %dma_wait3A_104 = tpu.memref_slice %arg7[%run_scoped3A_47, %dma_wait3A_103] : memref<40x128xi32, #tpu.memory_space<vmem>> -> memref<1x128xi32, #tpu.memory_space<vmem>>
      %dma_wait3A_105 = tpu.memref_squeeze %dma_wait3A_104 : memref<1x128xi32, #tpu.memory_space<vmem>> -> memref<128xi32, #tpu.memory_space<vmem>>
      %dma_wait3A_106 = arith.constant 0 : i32
      %dma_wait3A_107 = arith.constant 0 : i32
      %dma_wait3A_108 = tpu.memref_slice %arg10[%dma_wait3A_106, %dma_wait3A_107] : memref<10256x128xf32, #tpu.memory_space<vmem_shared>> -> memref<10256x128xf32, #tpu.memory_space<vmem_shared>>
      tpu.wait_indirect_dma semaphore(%run_scoped3A_96 : memref<!tpu.dma_semaphore, #tpu.memory_space<semaphore_mem>>) src(%arg9 : memref<128x128xf32, #tpu.memory_space<vmem>>) dst(%dma_wait3A_108 : memref<10256x128xf32, #tpu.memory_space<vmem_shared>>)
      tpu.yield
    }) : () -> ()
    "tpu.region"() ({
      %run_scoped3A_96 = tpu.sem_alloc : memref<!tpu.dma_semaphore, #tpu.memory_space<semaphore_mem>>
      %dma_start3A_97 = arith.constant 40 : i32
      %dma_start3A_98 = arith.constant 0 : i32
      %dma_start3A_99 = tpu.memref_slice %arg3[%add3A, %dma_start3A_97, %dma_start3A_98] : memref<32x80x128xi32, #tpu.memory_space<hbm>> -> memref<1x40x128xi32, #tpu.memory_space<hbm>>
      %dma_start3A_100 = tpu.memref_squeeze %dma_start3A_99 : memref<1x40x128xi32, #tpu.memory_space<hbm>> -> memref<40x128xi32, #tpu.memory_space<hbm>>
      %dma_start3A_101 = arith.constant 40 : i32
      %dma_start3A_102 = arith.constant 0 : i32
      %dma_start3A_103 = tpu.memref_slice %arg3[%add3A, %dma_start3A_101, %dma_start3A_102] : memref<32x80x128xi32, #tpu.memory_space<hbm>> -> memref<1x40x128xi32, #tpu.memory_space<hbm>>
      %dma_start3A_104 = tpu.memref_squeeze %dma_start3A_103 : memref<1x40x128xi32, #tpu.memory_space<hbm>> -> memref<40x128xi32, #tpu.memory_space<hbm>>
      tpu.enqueue_dma source(%dma_start3A_104 : memref<40x128xi32, #tpu.memory_space<hbm>>) target(%arg6 : memref<40x128xi32, #tpu.memory_space<vmem>>) target_semaphore(%run_scoped3A_96 : memref<!tpu.dma_semaphore, #tpu.memory_space<semaphore_mem>>)
      %dma_wait3A_105 = arith.constant 40 : i32
      %dma_wait3A_106 = arith.constant 0 : i32
      %dma_wait3A_107 = tpu.memref_slice %arg3[%add3A, %dma_wait3A_105, %dma_wait3A_106] : memref<32x80x128xi32, #tpu.memory_space<hbm>> -> memref<1x40x128xi32, #tpu.memory_space<hbm>>
      %dma_wait3A_108 = tpu.memref_squeeze %dma_wait3A_107 : memref<1x40x128xi32, #tpu.memory_space<hbm>> -> memref<40x128xi32, #tpu.memory_space<hbm>>
      %dma_wait3A_109 = arith.constant 40 : i32
      %dma_wait3A_110 = arith.constant 0 : i32
      %dma_wait3A_111 = tpu.memref_slice %arg3[%add3A, %dma_wait3A_109, %dma_wait3A_110] : memref<32x80x128xi32, #tpu.memory_space<hbm>> -> memref<1x40x128xi32, #tpu.memory_space<hbm>>
      %dma_wait3A_112 = tpu.memref_squeeze %dma_wait3A_111 : memref<1x40x128xi32, #tpu.memory_space<hbm>> -> memref<40x128xi32, #tpu.memory_space<hbm>>
      tpu.wait_dma2 semaphore(%run_scoped3A_96 : memref<!tpu.dma_semaphore, #tpu.memory_space<semaphore_mem>>) src(%dma_wait3A_112 : memref<40x128xi32, #tpu.memory_space<hbm>>) dst(%arg6 : memref<40x128xi32, #tpu.memory_space<vmem>>)
      tpu.yield
    }) : () -> ()
    "tpu.region"() ({
      %run_scoped3A_96 = tpu.sem_alloc : memref<!tpu.dma_semaphore, #tpu.memory_space<semaphore_mem>>
      %dma_start3A_97 = arith.constant 40 : i32
      %dma_start3A_98 = arith.constant 0 : i32
      %dma_start3A_99 = tpu.memref_slice %arg4[%add3A, %dma_start3A_97, %dma_start3A_98] : memref<32x80x128xi32, #tpu.memory_space<hbm>> -> memref<1x40x128xi32, #tpu.memory_space<hbm>>
      %dma_start3A_100 = tpu.memref_squeeze %dma_start3A_99 : memref<1x40x128xi32, #tpu.memory_space<hbm>> -> memref<40x128xi32, #tpu.memory_space<hbm>>
      %dma_start3A_101 = arith.constant 40 : i32
      %dma_start3A_102 = arith.constant 0 : i32
      %dma_start3A_103 = tpu.memref_slice %arg4[%add3A, %dma_start3A_101, %dma_start3A_102] : memref<32x80x128xi32, #tpu.memory_space<hbm>> -> memref<1x40x128xi32, #tpu.memory_space<hbm>>
      %dma_start3A_104 = tpu.memref_squeeze %dma_start3A_103 : memref<1x40x128xi32, #tpu.memory_space<hbm>> -> memref<40x128xi32, #tpu.memory_space<hbm>>
      tpu.enqueue_dma source(%dma_start3A_104 : memref<40x128xi32, #tpu.memory_space<hbm>>) target(%arg7 : memref<40x128xi32, #tpu.memory_space<vmem>>) target_semaphore(%run_scoped3A_96 : memref<!tpu.dma_semaphore, #tpu.memory_space<semaphore_mem>>)
      %dma_wait3A_105 = arith.constant 40 : i32
      %dma_wait3A_106 = arith.constant 0 : i32
      %dma_wait3A_107 = tpu.memref_slice %arg4[%add3A, %dma_wait3A_105, %dma_wait3A_106] : memref<32x80x128xi32, #tpu.memory_space<hbm>> -> memref<1x40x128xi32, #tpu.memory_space<hbm>>
      %dma_wait3A_108 = tpu.memref_squeeze %dma_wait3A_107 : memref<1x40x128xi32, #tpu.memory_space<hbm>> -> memref<40x128xi32, #tpu.memory_space<hbm>>
      %dma_wait3A_109 = arith.constant 40 : i32
      %dma_wait3A_110 = arith.constant 0 : i32
      %dma_wait3A_111 = tpu.memref_slice %arg4[%add3A, %dma_wait3A_109, %dma_wait3A_110] : memref<32x80x128xi32, #tpu.memory_space<hbm>> -> memref<1x40x128xi32, #tpu.memory_space<hbm>>
      %dma_wait3A_112 = tpu.memref_squeeze %dma_wait3A_111 : memref<1x40x128xi32, #tpu.memory_space<hbm>> -> memref<40x128xi32, #tpu.memory_space<hbm>>
      tpu.wait_dma2 semaphore(%run_scoped3A_96 : memref<!tpu.dma_semaphore, #tpu.memory_space<semaphore_mem>>) src(%dma_wait3A_112 : memref<40x128xi32, #tpu.memory_space<hbm>>) dst(%arg7 : memref<40x128xi32, #tpu.memory_space<vmem>>)
      tpu.yield
    }) : () -> ()
    %dma_start3A_48 = arith.constant 0 : i32
    %dma_start3A_49 = arith.constant 0 : i32
    %dma_start3A_50 = tpu.memref_slice %arg6[%dma_start3A_48, %dma_start3A_49] : memref<40x128xi32, #tpu.memory_space<vmem>> -> memref<1x128xi32, #tpu.memory_space<vmem>>
    %dma_start3A_51 = tpu.memref_squeeze %dma_start3A_50 : memref<1x128xi32, #tpu.memory_space<vmem>> -> memref<128xi32, #tpu.memory_space<vmem>>
    %dma_start3A_52 = arith.constant 0 : i32
    %dma_start3A_53 = arith.constant 0 : i32
    %dma_start3A_54 = tpu.memref_slice %arg2[%dma_start3A_52, %dma_start3A_53] : memref<10256x128xf32, #tpu.memory_space<hbm>> -> memref<10256x128xf32, #tpu.memory_space<hbm>>
    tpu.enqueue_indirect_dma source(%dma_start3A_54 : memref<10256x128xf32, #tpu.memory_space<hbm>>) target(%arg8 : memref<128x128xf32, #tpu.memory_space<vmem>>) offsets(%dma_start3A_51 : memref<128xi32, #tpu.memory_space<vmem>>) semaphore(%arg11 : memref<!tpu.dma_semaphore, #tpu.memory_space<semaphore_mem>>)
    %scan3A_55 = arith.constant 0 : i32
    %scan3A_56 = arith.constant 0 : i32
    %scan3A_57 = arith.constant 19 : i32
    %scan3A_58 = arith.addi %scan3A_56, %scan3A_57 : i32
    %scan3A_59 = arith.constant 1 : i32
    scf.for %scan3A_96 = %scan3A_56 to %scan3A_58 step %scan3A_59  : i32 {
      %mul3A_97 = arith.constant 2 : i32
      %mul3A_98 = arith.muli %mul3A_97, %scan3A_96 : i32
      %add3A_99 = arith.constant 1 : i32
      %add3A_100 = arith.addi %mul3A_98, %add3A_99 : i32
      %dma_start3A_101 = arith.constant 0 : i32
      %dma_start3A_102 = tpu.memref_slice %arg6[%add3A_100, %dma_start3A_101] : memref<40x128xi32, #tpu.memory_space<vmem>> -> memref<1x128xi32, #tpu.memory_space<vmem>>
      %dma_start3A_103 = tpu.memref_squeeze %dma_start3A_102 : memref<1x128xi32, #tpu.memory_space<vmem>> -> memref<128xi32, #tpu.memory_space<vmem>>
      %dma_start3A_104 = arith.constant 0 : i32
      %dma_start3A_105 = arith.constant 0 : i32
      %dma_start3A_106 = tpu.memref_slice %arg2[%dma_start3A_104, %dma_start3A_105] : memref<10256x128xf32, #tpu.memory_space<hbm>> -> memref<10256x128xf32, #tpu.memory_space<hbm>>
      tpu.enqueue_indirect_dma source(%dma_start3A_106 : memref<10256x128xf32, #tpu.memory_space<hbm>>) target(%arg9 : memref<128x128xf32, #tpu.memory_space<vmem>>) offsets(%dma_start3A_103 : memref<128xi32, #tpu.memory_space<vmem>>) semaphore(%arg12 : memref<!tpu.dma_semaphore, #tpu.memory_space<semaphore_mem>>)
      %dma_wait3A_107 = arith.constant 0 : i32
      %dma_wait3A_108 = tpu.memref_slice %arg6[%mul3A_98, %dma_wait3A_107] : memref<40x128xi32, #tpu.memory_space<vmem>> -> memref<1x128xi32, #tpu.memory_space<vmem>>
      %dma_wait3A_109 = tpu.memref_squeeze %dma_wait3A_108 : memref<1x128xi32, #tpu.memory_space<vmem>> -> memref<128xi32, #tpu.memory_space<vmem>>
      %dma_wait3A_110 = arith.constant 0 : i32
      %dma_wait3A_111 = arith.constant 0 : i32
      %dma_wait3A_112 = tpu.memref_slice %arg2[%dma_wait3A_110, %dma_wait3A_111] : memref<10256x128xf32, #tpu.memory_space<hbm>> -> memref<10256x128xf32, #tpu.memory_space<hbm>>
      tpu.wait_indirect_dma semaphore(%arg11 : memref<!tpu.dma_semaphore, #tpu.memory_space<semaphore_mem>>) src(%dma_wait3A_112 : memref<10256x128xf32, #tpu.memory_space<hbm>>) dst(%arg8 : memref<128x128xf32, #tpu.memory_space<vmem>>)
      "tpu.region"() ({
        %run_scoped3A_131 = tpu.sem_alloc : memref<!tpu.dma_semaphore, #tpu.memory_space<semaphore_mem>>
        %dma_start3A_132 = arith.constant 0 : i32
        %dma_start3A_133 = tpu.memref_slice %arg7[%mul3A_98, %dma_start3A_132] : memref<40x128xi32, #tpu.memory_space<vmem>> -> memref<1x128xi32, #tpu.memory_space<vmem>>
        %dma_start3A_134 = tpu.memref_squeeze %dma_start3A_133 : memref<1x128xi32, #tpu.memory_space<vmem>> -> memref<128xi32, #tpu.memory_space<vmem>>
        %dma_start3A_135 = arith.constant 0 : i32
        %dma_start3A_136 = arith.constant 0 : i32
        %dma_start3A_137 = tpu.memref_slice %arg10[%dma_start3A_135, %dma_start3A_136] : memref<10256x128xf32, #tpu.memory_space<vmem_shared>> -> memref<10256x128xf32, #tpu.memory_space<vmem_shared>>
        tpu.enqueue_indirect_dma source(%arg8 : memref<128x128xf32, #tpu.memory_space<vmem>>) target(%dma_start3A_137 : memref<10256x128xf32, #tpu.memory_space<vmem_shared>>) offsets(%dma_start3A_134 : memref<128xi32, #tpu.memory_space<vmem>>) semaphore(%run_scoped3A_131 : memref<!tpu.dma_semaphore, #tpu.memory_space<semaphore_mem>>) {add = true}
        %dma_wait3A_138 = arith.constant 0 : i32
        %dma_wait3A_139 = tpu.memref_slice %arg7[%mul3A_98, %dma_wait3A_138] : memref<40x128xi32, #tpu.memory_space<vmem>> -> memref<1x128xi32, #tpu.memory_space<vmem>>
        %dma_wait3A_140 = tpu.memref_squeeze %dma_wait3A_139 : memref<1x128xi32, #tpu.memory_space<vmem>> -> memref<128xi32, #tpu.memory_space<vmem>>
        %dma_wait3A_141 = arith.constant 0 : i32
        %dma_wait3A_142 = arith.constant 0 : i32
        %dma_wait3A_143 = tpu.memref_slice %arg10[%dma_wait3A_141, %dma_wait3A_142] : memref<10256x128xf32, #tpu.memory_space<vmem_shared>> -> memref<10256x128xf32, #tpu.memory_space<vmem_shared>>
        tpu.wait_indirect_dma semaphore(%run_scoped3A_131 : memref<!tpu.dma_semaphore, #tpu.memory_space<semaphore_mem>>) src(%arg8 : memref<128x128xf32, #tpu.memory_space<vmem>>) dst(%dma_wait3A_143 : memref<10256x128xf32, #tpu.memory_space<vmem_shared>>)
        tpu.yield
      }) : () -> ()
      %add3A_113 = arith.constant 2 : i32
      %add3A_114 = arith.addi %mul3A_98, %add3A_113 : i32
      %dma_start3A_115 = arith.constant 0 : i32
      %dma_start3A_116 = tpu.memref_slice %arg6[%add3A_114, %dma_start3A_115] : memref<40x128xi32, #tpu.memory_space<vmem>> -> memref<1x128xi32, #tpu.memory_space<vmem>>
      %dma_start3A_117 = tpu.memref_squeeze %dma_start3A_116 : memref<1x128xi32, #tpu.memory_space<vmem>> -> memref<128xi32, #tpu.memory_space<vmem>>
      %dma_start3A_118 = arith.constant 0 : i32
      %dma_start3A_119 = arith.constant 0 : i32
      %dma_start3A_120 = tpu.memref_slice %arg2[%dma_start3A_118, %dma_start3A_119] : memref<10256x128xf32, #tpu.memory_space<hbm>> -> memref<10256x128xf32, #tpu.memory_space<hbm>>
      tpu.enqueue_indirect_dma source(%dma_start3A_120 : memref<10256x128xf32, #tpu.memory_space<hbm>>) target(%arg8 : memref<128x128xf32, #tpu.memory_space<vmem>>) offsets(%dma_start3A_117 : memref<128xi32, #tpu.memory_space<vmem>>) semaphore(%arg11 : memref<!tpu.dma_semaphore, #tpu.memory_space<semaphore_mem>>)
      %add3A_121 = arith.constant 1 : i32
      %add3A_122 = arith.addi %mul3A_98, %add3A_121 : i32
      %dma_wait3A_123 = arith.constant 0 : i32
      %dma_wait3A_124 = tpu.memref_slice %arg6[%add3A_122, %dma_wait3A_123] : memref<40x128xi32, #tpu.memory_space<vmem>> -> memref<1x128xi32, #tpu.memory_space<vmem>>
      %dma_wait3A_125 = tpu.memref_squeeze %dma_wait3A_124 : memref<1x128xi32, #tpu.memory_space<vmem>> -> memref<128xi32, #tpu.memory_space<vmem>>
      %dma_wait3A_126 = arith.constant 0 : i32
      %dma_wait3A_127 = arith.constant 0 : i32
      %dma_wait3A_128 = tpu.memref_slice %arg2[%dma_wait3A_126, %dma_wait3A_127] : memref<10256x128xf32, #tpu.memory_space<hbm>> -> memref<10256x128xf32, #tpu.memory_space<hbm>>
      tpu.wait_indirect_dma semaphore(%arg12 : memref<!tpu.dma_semaphore, #tpu.memory_space<semaphore_mem>>) src(%dma_wait3A_128 : memref<10256x128xf32, #tpu.memory_space<hbm>>) dst(%arg9 : memref<128x128xf32, #tpu.memory_space<vmem>>)
      %add3A_129 = arith.constant 1 : i32
      %add3A_130 = arith.addi %mul3A_98, %add3A_129 : i32
      "tpu.region"() ({
        %run_scoped3A_131 = tpu.sem_alloc : memref<!tpu.dma_semaphore, #tpu.memory_space<semaphore_mem>>
        %dma_start3A_132 = arith.constant 0 : i32
        %dma_start3A_133 = tpu.memref_slice %arg7[%add3A_130, %dma_start3A_132] : memref<40x128xi32, #tpu.memory_space<vmem>> -> memref<1x128xi32, #tpu.memory_space<vmem>>
        %dma_start3A_134 = tpu.memref_squeeze %dma_start3A_133 : memref<1x128xi32, #tpu.memory_space<vmem>> -> memref<128xi32, #tpu.memory_space<vmem>>
        %dma_start3A_135 = arith.constant 0 : i32
        %dma_start3A_136 = arith.constant 0 : i32
        %dma_start3A_137 = tpu.memref_slice %arg10[%dma_start3A_135, %dma_start3A_136] : memref<10256x128xf32, #tpu.memory_space<vmem_shared>> -> memref<10256x128xf32, #tpu.memory_space<vmem_shared>>
        tpu.enqueue_indirect_dma source(%arg9 : memref<128x128xf32, #tpu.memory_space<vmem>>) target(%dma_start3A_137 : memref<10256x128xf32, #tpu.memory_space<vmem_shared>>) offsets(%dma_start3A_134 : memref<128xi32, #tpu.memory_space<vmem>>) semaphore(%run_scoped3A_131 : memref<!tpu.dma_semaphore, #tpu.memory_space<semaphore_mem>>) {add = true}
        %dma_wait3A_138 = arith.constant 0 : i32
        %dma_wait3A_139 = tpu.memref_slice %arg7[%add3A_130, %dma_wait3A_138] : memref<40x128xi32, #tpu.memory_space<vmem>> -> memref<1x128xi32, #tpu.memory_space<vmem>>
        %dma_wait3A_140 = tpu.memref_squeeze %dma_wait3A_139 : memref<1x128xi32, #tpu.memory_space<vmem>> -> memref<128xi32, #tpu.memory_space<vmem>>
        %dma_wait3A_141 = arith.constant 0 : i32
        %dma_wait3A_142 = arith.constant 0 : i32
        %dma_wait3A_143 = tpu.memref_slice %arg10[%dma_wait3A_141, %dma_wait3A_142] : memref<10256x128xf32, #tpu.memory_space<vmem_shared>> -> memref<10256x128xf32, #tpu.memory_space<vmem_shared>>
        tpu.wait_indirect_dma semaphore(%run_scoped3A_131 : memref<!tpu.dma_semaphore, #tpu.memory_space<semaphore_mem>>) src(%arg9 : memref<128x128xf32, #tpu.memory_space<vmem>>) dst(%dma_wait3A_143 : memref<10256x128xf32, #tpu.memory_space<vmem_shared>>)
        tpu.yield
      }) : () -> ()
    }
    %scan3A_60 = arith.constant 19 : i32
    %dma_start3A_61 = arith.constant 39 : i32
    %dma_start3A_62 = arith.constant 0 : i32
    %dma_start3A_63 = tpu.memref_slice %arg6[%dma_start3A_61, %dma_start3A_62] : memref<40x128xi32, #tpu.memory_space<vmem>> -> memref<1x128xi32, #tpu.memory_space<vmem>>
    %dma_start3A_64 = tpu.memref_squeeze %dma_start3A_63 : memref<1x128xi32, #tpu.memory_space<vmem>> -> memref<128xi32, #tpu.memory_space<vmem>>
    %dma_start3A_65 = arith.constant 0 : i32
    %dma_start3A_66 = arith.constant 0 : i32
    %dma_start3A_67 = tpu.memref_slice %arg2[%dma_start3A_65, %dma_start3A_66] : memref<10256x128xf32, #tpu.memory_space<hbm>> -> memref<10256x128xf32, #tpu.memory_space<hbm>>
    tpu.enqueue_indirect_dma source(%dma_start3A_67 : memref<10256x128xf32, #tpu.memory_space<hbm>>) target(%arg9 : memref<128x128xf32, #tpu.memory_space<vmem>>) offsets(%dma_start3A_64 : memref<128xi32, #tpu.memory_space<vmem>>) semaphore(%arg12 : memref<!tpu.dma_semaphore, #tpu.memory_space<semaphore_mem>>)
    %dma_wait3A_68 = arith.constant 38 : i32
    %dma_wait3A_69 = arith.constant 0 : i32
    %dma_wait3A_70 = tpu.memref_slice %arg6[%dma_wait3A_68, %dma_wait3A_69] : memref<40x128xi32, #tpu.memory_space<vmem>> -> memref<1x128xi32, #tpu.memory_space<vmem>>
    %dma_wait3A_71 = tpu.memref_squeeze %dma_wait3A_70 : memref<1x128xi32, #tpu.memory_space<vmem>> -> memref<128xi32, #tpu.memory_space<vmem>>
    %dma_wait3A_72 = arith.constant 0 : i32
    %dma_wait3A_73 = arith.constant 0 : i32
    %dma_wait3A_74 = tpu.memref_slice %arg2[%dma_wait3A_72, %dma_wait3A_73] : memref<10256x128xf32, #tpu.memory_space<hbm>> -> memref<10256x128xf32, #tpu.memory_space<hbm>>
    tpu.wait_indirect_dma semaphore(%arg11 : memref<!tpu.dma_semaphore, #tpu.memory_space<semaphore_mem>>) src(%dma_wait3A_74 : memref<10256x128xf32, #tpu.memory_space<hbm>>) dst(%arg8 : memref<128x128xf32, #tpu.memory_space<vmem>>)
    %run_scoped3A_75 = arith.constant 38 : i32
    "tpu.region"() ({
      %run_scoped3A_96 = tpu.sem_alloc : memref<!tpu.dma_semaphore, #tpu.memory_space<semaphore_mem>>
      %dma_start3A_97 = arith.constant 0 : i32
      %dma_start3A_98 = tpu.memref_slice %arg7[%run_scoped3A_75, %dma_start3A_97] : memref<40x128xi32, #tpu.memory_space<vmem>> -> memref<1x128xi32, #tpu.memory_space<vmem>>
      %dma_start3A_99 = tpu.memref_squeeze %dma_start3A_98 : memref<1x128xi32, #tpu.memory_space<vmem>> -> memref<128xi32, #tpu.memory_space<vmem>>
      %dma_start3A_100 = arith.constant 0 : i32
      %dma_start3A_101 = arith.constant 0 : i32
      %dma_start3A_102 = tpu.memref_slice %arg10[%dma_start3A_100, %dma_start3A_101] : memref<10256x128xf32, #tpu.memory_space<vmem_shared>> -> memref<10256x128xf32, #tpu.memory_space<vmem_shared>>
      tpu.enqueue_indirect_dma source(%arg8 : memref<128x128xf32, #tpu.memory_space<vmem>>) target(%dma_start3A_102 : memref<10256x128xf32, #tpu.memory_space<vmem_shared>>) offsets(%dma_start3A_99 : memref<128xi32, #tpu.memory_space<vmem>>) semaphore(%run_scoped3A_96 : memref<!tpu.dma_semaphore, #tpu.memory_space<semaphore_mem>>) {add = true}
      %dma_wait3A_103 = arith.constant 0 : i32
      %dma_wait3A_104 = tpu.memref_slice %arg7[%run_scoped3A_75, %dma_wait3A_103] : memref<40x128xi32, #tpu.memory_space<vmem>> -> memref<1x128xi32, #tpu.memory_space<vmem>>
      %dma_wait3A_105 = tpu.memref_squeeze %dma_wait3A_104 : memref<1x128xi32, #tpu.memory_space<vmem>> -> memref<128xi32, #tpu.memory_space<vmem>>
      %dma_wait3A_106 = arith.constant 0 : i32
      %dma_wait3A_107 = arith.constant 0 : i32
      %dma_wait3A_108 = tpu.memref_slice %arg10[%dma_wait3A_106, %dma_wait3A_107] : memref<10256x128xf32, #tpu.memory_space<vmem_shared>> -> memref<10256x128xf32, #tpu.memory_space<vmem_shared>>
      tpu.wait_indirect_dma semaphore(%run_scoped3A_96 : memref<!tpu.dma_semaphore, #tpu.memory_space<semaphore_mem>>) src(%arg8 : memref<128x128xf32, #tpu.memory_space<vmem>>) dst(%dma_wait3A_108 : memref<10256x128xf32, #tpu.memory_space<vmem_shared>>)
      tpu.yield
    }) : () -> ()
    %dma_wait3A_76 = arith.constant 39 : i32
    %dma_wait3A_77 = arith.constant 0 : i32
    %dma_wait3A_78 = tpu.memref_slice %arg6[%dma_wait3A_76, %dma_wait3A_77] : memref<40x128xi32, #tpu.memory_space<vmem>> -> memref<1x128xi32, #tpu.memory_space<vmem>>
    %dma_wait3A_79 = tpu.memref_squeeze %dma_wait3A_78 : memref<1x128xi32, #tpu.memory_space<vmem>> -> memref<128xi32, #tpu.memory_space<vmem>>
    %dma_wait3A_80 = arith.constant 0 : i32
    %dma_wait3A_81 = arith.constant 0 : i32
    %dma_wait3A_82 = tpu.memref_slice %arg2[%dma_wait3A_80, %dma_wait3A_81] : memref<10256x128xf32, #tpu.memory_space<hbm>> -> memref<10256x128xf32, #tpu.memory_space<hbm>>
    tpu.wait_indirect_dma semaphore(%arg12 : memref<!tpu.dma_semaphore, #tpu.memory_space<semaphore_mem>>) src(%dma_wait3A_82 : memref<10256x128xf32, #tpu.memory_space<hbm>>) dst(%arg9 : memref<128x128xf32, #tpu.memory_space<vmem>>)
    %run_scoped3A_83 = arith.constant 39 : i32
    "tpu.region"() ({
      %run_scoped3A_96 = tpu.sem_alloc : memref<!tpu.dma_semaphore, #tpu.memory_space<semaphore_mem>>
      %dma_start3A_97 = arith.constant 0 : i32
      %dma_start3A_98 = tpu.memref_slice %arg7[%run_scoped3A_83, %dma_start3A_97] : memref<40x128xi32, #tpu.memory_space<vmem>> -> memref<1x128xi32, #tpu.memory_space<vmem>>
      %dma_start3A_99 = tpu.memref_squeeze %dma_start3A_98 : memref<1x128xi32, #tpu.memory_space<vmem>> -> memref<128xi32, #tpu.memory_space<vmem>>
      %dma_start3A_100 = arith.constant 0 : i32
      %dma_start3A_101 = arith.constant 0 : i32
      %dma_start3A_102 = tpu.memref_slice %arg10[%dma_start3A_100, %dma_start3A_101] : memref<10256x128xf32, #tpu.memory_space<vmem_shared>> -> memref<10256x128xf32, #tpu.memory_space<vmem_shared>>
      tpu.enqueue_indirect_dma source(%arg9 : memref<128x128xf32, #tpu.memory_space<vmem>>) target(%dma_start3A_102 : memref<10256x128xf32, #tpu.memory_space<vmem_shared>>) offsets(%dma_start3A_99 : memref<128xi32, #tpu.memory_space<vmem>>) semaphore(%run_scoped3A_96 : memref<!tpu.dma_semaphore, #tpu.memory_space<semaphore_mem>>) {add = true}
      %dma_wait3A_103 = arith.constant 0 : i32
      %dma_wait3A_104 = tpu.memref_slice %arg7[%run_scoped3A_83, %dma_wait3A_103] : memref<40x128xi32, #tpu.memory_space<vmem>> -> memref<1x128xi32, #tpu.memory_space<vmem>>
      %dma_wait3A_105 = tpu.memref_squeeze %dma_wait3A_104 : memref<1x128xi32, #tpu.memory_space<vmem>> -> memref<128xi32, #tpu.memory_space<vmem>>
      %dma_wait3A_106 = arith.constant 0 : i32
      %dma_wait3A_107 = arith.constant 0 : i32
      %dma_wait3A_108 = tpu.memref_slice %arg10[%dma_wait3A_106, %dma_wait3A_107] : memref<10256x128xf32, #tpu.memory_space<vmem_shared>> -> memref<10256x128xf32, #tpu.memory_space<vmem_shared>>
      tpu.wait_indirect_dma semaphore(%run_scoped3A_96 : memref<!tpu.dma_semaphore, #tpu.memory_space<semaphore_mem>>) src(%arg9 : memref<128x128xf32, #tpu.memory_space<vmem>>) dst(%dma_wait3A_108 : memref<10256x128xf32, #tpu.memory_space<vmem_shared>>)
      tpu.yield
    }) : () -> ()
    %barrier3A_84 = arith.constant 0 : index
    tpu.barrier barrier_id(%barrier3A_84)
    %scan3A_85 = arith.constant 0 : i32
    %scan3A_86 = arith.constant 0 : i32
    %scan3A_87 = arith.constant 6 : i32
    %scan3A_88 = arith.addi %scan3A_86, %scan3A_87 : i32
    %scan3A_89 = arith.constant 1 : i32
    scf.for %scan3A_96 = %scan3A_86 to %scan3A_88 step %scan3A_89  : i32 {
      %mul3A_97 = arith.constant 624 : i32
      %mul3A_98 = arith.muli %arg1, %mul3A_97 : i32
      %mul3A_99 = arith.constant 104 : i32
      %mul3A_100 = arith.muli %scan3A_96, %mul3A_99 : i32
      %add3A_101 = arith.addi %mul3A_98, %mul3A_100 : i32
      "tpu.region"() ({
        %run_scoped3A_102 = tpu.sem_alloc : memref<!tpu.dma_semaphore, #tpu.memory_space<semaphore_mem>>
        %dma_start3A_103 = arith.constant 0 : i32
        %dma_start3A_104 = tpu.memref_slice %arg5[%arg0, %add3A_101, %dma_start3A_103] : memref<2x10000x128xf32, #tpu.memory_space<hbm>> -> memref<1x104x128xf32, #tpu.memory_space<hbm>>
        %dma_start3A_105 = tpu.memref_squeeze %dma_start3A_104 : memref<1x104x128xf32, #tpu.memory_space<hbm>> -> memref<104x128xf32, #tpu.memory_space<hbm>>
        %dma_start3A_106 = arith.constant 0 : i32
        %dma_start3A_107 = tpu.memref_slice %arg10[%add3A_101, %dma_start3A_106] : memref<10256x128xf32, #tpu.memory_space<vmem_shared>> -> memref<104x128xf32, #tpu.memory_space<vmem_shared>>
        tpu.enqueue_dma source(%dma_start3A_107 : memref<104x128xf32, #tpu.memory_space<vmem_shared>>) target(%dma_start3A_105 : memref<104x128xf32, #tpu.memory_space<hbm>>) target_semaphore(%run_scoped3A_102 : memref<!tpu.dma_semaphore, #tpu.memory_space<semaphore_mem>>)
        %dma_wait3A_108 = arith.constant 0 : i32
        %dma_wait3A_109 = tpu.memref_slice %arg5[%arg0, %add3A_101, %dma_wait3A_108] : memref<2x10000x128xf32, #tpu.memory_space<hbm>> -> memref<1x104x128xf32, #tpu.memory_space<hbm>>
        %dma_wait3A_110 = tpu.memref_squeeze %dma_wait3A_109 : memref<1x104x128xf32, #tpu.memory_space<hbm>> -> memref<104x128xf32, #tpu.memory_space<hbm>>
        %dma_wait3A_111 = arith.constant 0 : i32
        %dma_wait3A_112 = tpu.memref_slice %arg10[%add3A_101, %dma_wait3A_111] : memref<10256x128xf32, #tpu.memory_space<vmem_shared>> -> memref<104x128xf32, #tpu.memory_space<vmem_shared>>
        tpu.wait_dma2 semaphore(%run_scoped3A_102 : memref<!tpu.dma_semaphore, #tpu.memory_space<semaphore_mem>>) src(%dma_wait3A_112 : memref<104x128xf32, #tpu.memory_space<vmem_shared>>) dst(%dma_wait3A_110 : memref<104x128xf32, #tpu.memory_space<hbm>>)
        tpu.yield
      }) : () -> ()
    }
    %scan3A_90 = arith.constant 6 : i32
    %eq3A_91 = arith.constant 0 : i32
    %eq3A_92 = arith.cmpi eq, %arg1, %eq3A_91 : i32
    %convert_element_type3A_93 = arith.extui %eq3A_92 : i1 to i32
    %cond3A_94 = arith.constant 0 : i32
    %cond3A_95 = arith.cmpi ne, %convert_element_type3A_93, %cond3A_94 : i32
    scf.if %cond3A_95 {
      "tpu.region"() ({
        %run_scoped3A_96 = tpu.sem_alloc : memref<!tpu.dma_semaphore, #tpu.memory_space<semaphore_mem>>
        %dma_start3A_97 = arith.constant 9984 : i32
        %dma_start3A_98 = arith.constant 0 : i32
        %dma_start3A_99 = tpu.memref_slice %arg5[%arg0, %dma_start3A_97, %dma_start3A_98] : memref<2x10000x128xf32, #tpu.memory_space<hbm>> -> memref<1x16x128xf32, #tpu.memory_space<hbm>>
        %dma_start3A_100 = tpu.memref_squeeze %dma_start3A_99 : memref<1x16x128xf32, #tpu.memory_space<hbm>> -> memref<16x128xf32, #tpu.memory_space<hbm>>
        %dma_start3A_101 = arith.constant 9984 : i32
        %dma_start3A_102 = arith.constant 0 : i32
        %dma_start3A_103 = tpu.memref_slice %arg10[%dma_start3A_101, %dma_start3A_102] : memref<10256x128xf32, #tpu.memory_space<vmem_shared>> -> memref<16x128xf32, #tpu.memory_space<vmem_shared>>
        tpu.enqueue_dma source(%dma_start3A_103 : memref<16x128xf32, #tpu.memory_space<vmem_shared>>) target(%dma_start3A_100 : memref<16x128xf32, #tpu.memory_space<hbm>>) target_semaphore(%run_scoped3A_96 : memref<!tpu.dma_semaphore, #tpu.memory_space<semaphore_mem>>)
        %dma_wait3A_104 = arith.constant 9984 : i32
        %dma_wait3A_105 = arith.constant 0 : i32
        %dma_wait3A_106 = tpu.memref_slice %arg5[%arg0, %dma_wait3A_104, %dma_wait3A_105] : memref<2x10000x128xf32, #tpu.memory_space<hbm>> -> memref<1x16x128xf32, #tpu.memory_space<hbm>>
        %dma_wait3A_107 = tpu.memref_squeeze %dma_wait3A_106 : memref<1x16x128xf32, #tpu.memory_space<hbm>> -> memref<16x128xf32, #tpu.memory_space<hbm>>
        %dma_wait3A_108 = arith.constant 9984 : i32
        %dma_wait3A_109 = arith.constant 0 : i32
        %dma_wait3A_110 = tpu.memref_slice %arg10[%dma_wait3A_108, %dma_wait3A_109] : memref<10256x128xf32, #tpu.memory_space<vmem_shared>> -> memref<16x128xf32, #tpu.memory_space<vmem_shared>>
        tpu.wait_dma2 semaphore(%run_scoped3A_96 : memref<!tpu.dma_semaphore, #tpu.memory_space<semaphore_mem>>) src(%dma_wait3A_110 : memref<16x128xf32, #tpu.memory_space<vmem_shared>>) dst(%dma_wait3A_107 : memref<16x128xf32, #tpu.memory_space<hbm>>)
        tpu.yield
      }) : () -> ()
    } else {
    }
    return
  }
}

module attributes {stable_mosaic.version = 14 : i64} {
  func.func @_scale_body(%arg0: memref<10000x128xf32, #tpu.memory_space<vmem>>, %arg1: memref<10000x1xf32, #tpu.memory_space<vmem>>, %arg2: memref<10256x128xf32, #tpu.memory_space<vmem>>) attributes {dimension_semantics = [], scalar_prefetch = 0 : i64, scratch_operands = 0 : i64, tpu.core_type = #tpu.core_type<tc>} {
    %get3A = arith.constant 0 : index
    %get3A_0 = arith.constant 0 : index
    %get3A_1 = vector.load %arg0[%get3A, %get3A_0] : memref<10000x128xf32, #tpu.memory_space<vmem>>, vector<10000x128xf32>
    %get3A_2 = arith.constant 0 : index
    %get3A_3 = arith.constant 0 : index
    %get3A_4 = vector.load %arg1[%get3A_2, %get3A_3] : memref<10000x1xf32, #tpu.memory_space<vmem>>, vector<10000x1xf32>
    %mul3A = vector.broadcast %get3A_4 : vector<10000x1xf32> to vector<10000x128xf32>
    %mul3A_5 = arith.mulf %get3A_1, %mul3A : vector<10000x128xf32>
    %swap3A = arith.constant 0 : index
    %swap3A_6 = arith.constant 0 : index
    %swap3A_7 = vector.load %arg2[%swap3A, %swap3A_6] : memref<10256x128xf32, #tpu.memory_space<vmem>>, vector<10000x128xf32>
    tpu.vector_store %arg2[%swap3A, %swap3A_6], %mul3A_5 {strides = array<i32>} : memref<10256x128xf32, #tpu.memory_space<vmem>>, vector<10000x128xf32>,
    %broadcast_in_dim3A = arith.constant 0.000000e+00 : f32
    %broadcast_in_dim3A_8 = vector.broadcast %broadcast_in_dim3A : f32 to vector<256x128xf32>
    %swap3A_9 = arith.constant 10000 : index
    %swap3A_10 = arith.constant 0 : index
    %swap3A_11 = vector.load %arg2[%swap3A_9, %swap3A_10] : memref<10256x128xf32, #tpu.memory_space<vmem>>, vector<256x128xf32>
    tpu.vector_store %arg2[%swap3A_9, %swap3A_10], %broadcast_in_dim3A_8 {strides = array<i32>} : memref<10256x128xf32, #tpu.memory_space<vmem>>, vector<256x128xf32>,
    return
  }
}

module attributes {stable_mosaic.version = 14 : i64} {
  func.func @_dense_body(%arg0: memref<2x10000x128xf32, #tpu.memory_space<vmem>>, %arg1: memref<10000x128xf32, #tpu.memory_space<vmem>>, %arg2: memref<10000x1xf32, #tpu.memory_space<vmem>>, %arg3: memref<128x128xf32, #tpu.memory_space<vmem>>, %arg4: memref<1x128xf32, #tpu.memory_space<vmem>>, %arg5: memref<1x128xf32, #tpu.memory_space<vmem>>, %arg6: memref<1x128xf32, #tpu.memory_space<vmem>>, %arg7: memref<10000x128xf32, #tpu.memory_space<vmem>>) attributes {dimension_semantics = [], scalar_prefetch = 0 : i64, scratch_operands = 0 : i64, tpu.core_type = #tpu.core_type<tc>} {
    %get3A = arith.constant 0 : index
    %get3A_0 = arith.constant 0 : index
    %get3A_1 = arith.constant 0 : index
    %get3A_2 = vector.load %arg0[%get3A, %get3A_0, %get3A_1] : memref<2x10000x128xf32, #tpu.memory_space<vmem>>, vector<1x10000x128xf32>
    %get3A_3 = vector.shape_cast %get3A_2 : vector<1x10000x128xf32> to vector<10000x128xf32>
    %get3A_4 = arith.constant 1 : index
    %get3A_5 = arith.constant 0 : index
    %get3A_6 = arith.constant 0 : index
    %get3A_7 = vector.load %arg0[%get3A_4, %get3A_5, %get3A_6] : memref<2x10000x128xf32, #tpu.memory_space<vmem>>, vector<1x10000x128xf32>
    %get3A_8 = vector.shape_cast %get3A_7 : vector<1x10000x128xf32> to vector<10000x128xf32>
    %add3A = arith.addf %get3A_3, %get3A_8 : vector<10000x128xf32>
    %get3A_9 = arith.constant 0 : index
    %get3A_10 = arith.constant 0 : index
    %get3A_11 = vector.load %arg3[%get3A_9, %get3A_10] : memref<128x128xf32, #tpu.memory_space<vmem>>, vector<128x128xf32>
    %dot_general3A = arith.constant dense<0.000000e+00> : vector<10000x128xf32>
    %dot_general3A_12 = tpu.matmul %add3A, %get3A_11, %dot_general3A {dimension_numbers = #tpu.dot_dimension_numbers<[1], [0], [0], [1], [0, 0, 1, 1], [], []>, transpose_lhs_hint = false} : vector<10000x128xf32>, vector<128x128xf32>, vector<10000x128xf32> -> vector<10000x128xf32>
    %get3A_13 = arith.constant 0 : index
    %get3A_14 = arith.constant 0 : index
    %get3A_15 = vector.load %arg4[%get3A_13, %get3A_14] : memref<1x128xf32, #tpu.memory_space<vmem>>, vector<1x128xf32>
    %add3A_16 = vector.broadcast %get3A_15 : vector<1x128xf32> to vector<10000x128xf32>
    %add3A_17 = arith.addf %dot_general3A_12, %add3A_16 : vector<10000x128xf32>
    %get3A_18 = arith.constant 0 : index
    %get3A_19 = arith.constant 0 : index
    %get3A_20 = vector.load %arg2[%get3A_18, %get3A_19] : memref<10000x1xf32, #tpu.memory_space<vmem>>, vector<10000x1xf32>
    %mul3A = vector.broadcast %get3A_20 : vector<10000x1xf32> to vector<10000x128xf32>
    %mul3A_21 = arith.mulf %add3A_17, %mul3A : vector<10000x128xf32>
    %reduce_sum3A = arith.constant dense<0.000000e+00> : vector<128xf32>
    %reduce_sum3A_22 = vector.multi_reduction <add>, %mul3A_21, %reduce_sum3A [0] : vector<10000x128xf32> to vector<128xf32>
    %broadcast_in_dim3A = vector.shape_cast %reduce_sum3A_22 : vector<128xf32> to vector<1x128xf32>
    %div3A = arith.constant 1.000000e+04 : f32
    %div3A_23 = vector.broadcast %div3A : f32 to vector<1x128xf32>
    %div3A_24 = arith.divf %broadcast_in_dim3A, %div3A_23 : vector<1x128xf32>
    %sub3A = vector.broadcast %div3A_24 : vector<1x128xf32> to vector<10000x128xf32>
    %sub3A_25 = arith.subf %mul3A_21, %sub3A : vector<10000x128xf32>
    %integer_pow3A = arith.mulf %sub3A_25, %sub3A_25 : vector<10000x128xf32>
    %reduce_sum3A_26 = arith.constant dense<0.000000e+00> : vector<128xf32>
    %reduce_sum3A_27 = vector.multi_reduction <add>, %integer_pow3A, %reduce_sum3A_26 [0] : vector<10000x128xf32> to vector<128xf32>
    %broadcast_in_dim3A_28 = vector.shape_cast %reduce_sum3A_27 : vector<128xf32> to vector<1x128xf32>
    %div3A_29 = arith.constant 1.000000e+04 : f32
    %div3A_30 = vector.broadcast %div3A_29 : f32 to vector<1x128xf32>
    %div3A_31 = arith.divf %broadcast_in_dim3A_28, %div3A_30 : vector<1x128xf32>
    %sub3A_32 = vector.broadcast %div3A_24 : vector<1x128xf32> to vector<10000x128xf32>
    %sub3A_33 = arith.subf %mul3A_21, %sub3A_32 : vector<10000x128xf32>
    %add3A_34 = arith.constant 9.99999974E-6 : f32
    %add3A_35 = vector.broadcast %add3A_34 : f32 to vector<1x128xf32>
    %add3A_36 = arith.addf %div3A_31, %add3A_35 : vector<1x128xf32>
    %sqrt3A = math.sqrt %add3A_36 : vector<1x128xf32>
    %div3A_37 = vector.broadcast %sqrt3A : vector<1x128xf32> to vector<10000x128xf32>
    %div3A_38 = arith.divf %sub3A_33, %div3A_37 : vector<10000x128xf32>
    %get3A_39 = arith.constant 0 : index
    %get3A_40 = arith.constant 0 : index
    %get3A_41 = vector.load %arg5[%get3A_39, %get3A_40] : memref<1x128xf32, #tpu.memory_space<vmem>>, vector<1x128xf32>
    %mul3A_42 = vector.broadcast %get3A_41 : vector<1x128xf32> to vector<10000x128xf32>
    %mul3A_43 = arith.mulf %div3A_38, %mul3A_42 : vector<10000x128xf32>
    %get3A_44 = arith.constant 0 : index
    %get3A_45 = arith.constant 0 : index
    %get3A_46 = vector.load %arg6[%get3A_44, %get3A_45] : memref<1x128xf32, #tpu.memory_space<vmem>>, vector<1x128xf32>
    %add3A_47 = vector.broadcast %get3A_46 : vector<1x128xf32> to vector<10000x128xf32>
    %add3A_48 = arith.addf %mul3A_43, %add3A_47 : vector<10000x128xf32>
    %max3A = arith.constant 0.000000e+00 : f32
    %max3A_49 = vector.broadcast %max3A : f32 to vector<10000x128xf32>
    %max3A_50 = arith.maximumf %add3A_48, %max3A_49 : vector<10000x128xf32>
    %get3A_51 = arith.constant 0 : index
    %get3A_52 = arith.constant 0 : index
    %get3A_53 = vector.load %arg1[%get3A_51, %get3A_52] : memref<10000x128xf32, #tpu.memory_space<vmem>>, vector<10000x128xf32>
    %add3A_54 = arith.addf %get3A_53, %max3A_50 : vector<10000x128xf32>
    %swap3A = arith.constant 0 : index
    %swap3A_55 = arith.constant 0 : index
    %swap3A_56 = vector.load %arg7[%swap3A, %swap3A_55] : memref<10000x128xf32, #tpu.memory_space<vmem>>, vector<10000x128xf32>
    tpu.vector_store %arg7[%swap3A, %swap3A_55], %add3A_54 {strides = array<i32>} : memref<10000x128xf32, #tpu.memory_space<vmem>>, vector<10000x128xf32>,
    return
  }
}

</mosaic_0001>

<sc_bundles>
// kernel: kernel.5.cloned.1.call-start
scs
__scs_entry_jumppad:
0x0: {  	(pc) =	sbr.rel $0x88, $3  }
0x1: {  	(tag) =	ssettag $0x0;
	lr =	simm.s32 $0x1  }
0x2: {  	[smem:$0x3F9A] =	sst lr;
	_ =	strace $0xD0000000  }
0x3: {  	_ = 	snop  }
0x4: {  	_ = 	snop  }
0x5: {  	_ = 	snop  }
0x6: {  	_ = 	snop  }
0x7: {  	_ = 	snop  }
__scs_overlays_trampoline_lowered:
0x8: {  	[smem:$0x3FA9] =	sst s0  }
0x9: {  	[smem:$0x3FAA] =	sst s1  }
0xa: {  	[smem:$0x3FAB] =	sst s2  }
0xb: {  	[smem:$0x3FAC] =	sst s3  }
0xc: {  	[smem:$0x3FAD] =	sst s4  }
0xd: {  	[smem:$0x3FAE] =	sst s5  }
0xe: {  	[smem:$0x3FAF] =	sst s6  }
0xf: {  	[smem:$0x3FB0] =	sst s7  }
0x10: {  	[smem:$0x3FB1] =	sst s8  }
0x11: {  	[smem:$0x3FB2] =	sst s9;
	s0 =	simm.s32 @!p0 $0x0  }
0x12: {  	s1 =	sld [smem:$0x3F98];
	s0 =	simm.s32 @p0 $0x1  }
0x13: {  	[smem:$0x3FB3] =	sst s0;
	s0 =	simm.s32 @!p1 $0x0  }
0x14: {  	s2 =	sld [smem:$0x3F97];
	s0 =	simm.s32 @p1 $0x1  }
0x15: {  	[smem:$0x3FB4] =	sst s0;
	s0 =	simm.s32 @!p2 $0x0  }
0x16: {  	s3 =	sld [smem:$0x3FDB];
	s0 =	simm.s32 @p2 $0x1  }
0x17: {  	s4 =	simm.s32 $0x1BF5;
	[smem:$0x3FB6] =	sst s0  }
0x18: {  	s0 =	sld [smem:$0x3F99];
	_ =	swait.ge [sflag:s4], $0x0  }
0x19: {  	s7 =	sld [smem:$0x3F9A]  }
0x1a: {  	s8 =	sadd.s32 $0xFFFFE003, lr  }
0x1b: {  	s9 =	sadd.s32 $0xFFFFFEF7, lr;
	s5 =	simm.s32 $0xFFFFFFFF;
	p2 =	slt.u32 s8, $0xFFFFF086  }
0x1c: {  	p1 =	slt.u32 s9, $0xF7A;
	s5 =	simm.s32 @!p2 $0x0  }
0x1d: {  	s5 =	simm.s32 @p1 $0x1;
	p0 =	seq.s32 s7, s2  }
0x1e: {  	s7 =	smul.u32 @!p0 $0xF7A, s2;
	p2 =	seq.s32 @!p0 s5, $0x0  }
0x1f: {  	s9 =	smul.u32 $0xF7A, s1;
	s8 =	simm.s32 @!p0 $0x1BF5;
	p2 =	por !p2, p0  }
0x20: {  	[sflag:s8] =	ssyncset.s32 @!p0 $0xFFFFF086;
	s6 =	sadd.s32 @!p0 s3, s7;
	s7 =	simm.s32 @!p0 $0x108  }
0x21: {  	s3 =	sadd.s32 s3, s9;
	s6 =	sadd.s32 @!p0 $0x88, s6;
	s7 =	simm.s32 @p2 $0x1082  }
0x22: {  	[simem:s7], [sflag:s8] =	dma.local @!p0 [hbm:s6], $0xF7A  }
0x23: {  	s9 =	sor.u32 $0xD0000000, s2;
	s6 =	simm.s32 $0x108;
	_ =	swait.ge @!p0 [sflag:s8], $0x0  }
0x24: {  	s3 =	sadd.s32 $0x88, s3;
	s6 =	simm.s32 @!p1 $0x1082;
	[sflag:s4] =	ssyncset.s32 $0xFFFFF086  }
0x25: {  	[simem:s6], [sflag:s4] =	dma.local [hbm:s3], $0xF7A  }
0x26: {  	[smem:$0x3F9A] =	sst s1;
	(tag) =	ssettag s2;
	_ =	strace s9  }
0x27: {  	s1 =	sld [smem:$0x3FAA]  }
0x28: {  	s2 =	sld [smem:$0x3FAB]  }
0x29: {  	s4 =	sld [smem:$0x3FAD]  }
0x2a: {  	p0 =	seq.s32 s5, $0x0;
	s5 =	sld [smem:$0x3FAE]  }
0x2b: {  	s6 =	sld [smem:$0x3FAF]  }
0x2c: {  	s7 =	sld [smem:$0x3FB0]  }
0x2d: {  	s3 =	simm.s32 $0x108;
	s8 =	sld [smem:$0x3FB1]  }
0x2e: {  	s3 =	simm.s32 @!p0 $0x1082;
	s9 =	sld [smem:$0x3FB2]  }
0x2f: {  	lr =	sadd.s32 s0, s3;
	s0 =	sld [smem:$0x3FA9]  }
0x30: {  	s3 =	sld [smem:$0x3FAC]  }
0x31: {  	[smem:$0x3FB5] =	sst s10  }
0x32: {  	s10 =	sld [smem:$0x3FB3];
	_ =	sdelay $0x3  }
0x33: {  	p0 =	seq.s32 s10, $0x1;
	s10 =	sld [smem:$0x3FB5];
	_ =	sdelay $0x3  }
0x34: {  	[smem:$0x3FB5] =	sst s10  }
0x35: {  	s10 =	sld [smem:$0x3FB4];
	_ =	sdelay $0x3  }
0x36: {  	p1 =	seq.s32 s10, $0x1;
	s10 =	sld [smem:$0x3FB5];
	_ =	sdelay $0x3  }
0x37: {  	[smem:$0x3FB5] =	sst s10  }
0x38: {  	s10 =	sld [smem:$0x3FB6]  }
0x39: {  	_ = 	snop;
	(pc) =	sbr.ind lr, $3  }
0x3a: {  	_ = 	snop  }
0x3b: {  	_ = 	snop  }
0x3c: {  	p2 =	seq.s32 s10, $0x1;
	s10 =	sld [smem:$0x3FB5]  }
0x3d: {  	_ =	shalt  }
0x3e: {  	_ =	shalt  }
0x3f: {  	_ =	shalt  }
0x40: {  	_ =	shalt  }
0x41: {  	_ =	shalt  }
0x42: {  	_ =	shalt  }
0x43: {  	_ =	shalt  }
0x44: {  	_ =	shalt  }
0x45: {  	_ =	shalt  }
0x46: {  	_ =	shalt  }
0x47: {  	_ =	shalt  }
0x48: {  	_ =	shalt  }
0x49: {  	_ =	shalt  }
0x4a: {  	_ =	shalt  }
0x4b: {  	_ =	shalt  }
0x4c: {  	_ =	shalt  }
0x4d: {  	_ =	shalt  }
0x4e: {  	_ =	shalt  }
0x4f: {  	_ =	shalt  }
0x50: {  	_ =	shalt  }
0x51: {  	_ =	shalt  }
0x52: {  	_ =	shalt  }
0x53: {  	_ =	shalt  }
0x54: {  	_ =	shalt  }
0x55: {  	_ =	shalt  }
0x56: {  	_ =	shalt  }
0x57: {  	_ =	shalt  }
0x58: {  	_ =	shalt  }
0x59: {  	_ =	shalt  }
0x5a: {  	_ =	shalt  }
0x5b: {  	_ =	shalt  }
0x5c: {  	_ =	shalt  }
0x5d: {  	_ =	shalt  }
0x5e: {  	_ =	shalt  }
0x5f: {  	_ =	shalt  }
0x60: {  	_ =	shalt  }
0x61: {  	_ =	shalt  }
0x62: {  	_ =	shalt  }
0x63: {  	_ =	shalt  }
0x64: {  	_ =	shalt  }
0x65: {  	_ =	shalt  }
0x66: {  	_ =	shalt  }
0x67: {  	_ =	shalt  }
0x68: {  	_ =	shalt  }
0x69: {  	_ =	shalt  }
0x6a: {  	_ =	shalt  }
0x6b: {  	_ =	shalt  }
0x6c: {  	_ =	shalt  }
0x6d: {  	_ =	shalt  }
0x6e: {  	_ =	shalt  }
0x6f: {  	_ =	shalt  }
0x70: {  	_ =	shalt  }
0x71: {  	_ =	shalt  }
0x72: {  	_ =	shalt  }
0x73: {  	_ =	shalt  }
0x74: {  	_ =	shalt  }
0x75: {  	_ =	shalt  }
0x76: {  	_ =	shalt  }
0x77: {  	_ =	shalt  }
0x78: {  	_ =	shalt  }
0x79: {  	_ =	shalt  }
0x7a: {  	_ =	shalt  }
0x7b: {  	_ =	shalt  }
0x7c: {  	_ =	shalt  }
0x7d: {  	_ =	shalt  }
0x7e: {  	_ =	shalt  }
0x7f: {  	_ =	shalt  }
0x80: {  	_ =	shalt  }
0x81: {  	_ =	shalt  }
0x82: {  	_ =	shalt  }
0x83: {  	_ =	shalt  }
0x84: {  	_ =	shalt  }
0x85: {  	_ =	shalt  }
0x86: {  	_ =	shalt  }
0x87: {  	_ =	shalt  }
.Lfunc_end0:
.L_simem_size_0:
called_computation_lowered:
.L_overlay_start_0:
0x88: {  	s2 =	sld [smem:$0x3FD9]  }
0x89: {  	s3 =	sld [smem:$0x3FFE];
	_ =	sdelay $0x1  }
0x8a: {  	s1 =	srdreg.scid  }
0x8b: {  	s0 =	sand.u32 $0x1, s1  }
0x8c: {  	s17 =	sshll.u32 s0, $0xA;
	s2 =	sadd.s32 s3, s2  }
0x8d: {  	s2 =	sadd.s32 s2, s17  }
0x8e: {  	[smem:$0x3FC1] =	sst s2  }
0x8f: {  	_ = 	snop  }
0x90: {  	s2 =	sld [smem:$0x3FD0];
	(tm) =	ssettm $0x1  }
0x91: {  	s18 =	sld [smem:$0x3FFB];
	_ =	sdelay $0x3  }
0x92: {  	_ =	strace s18  }
0x93: {  	s3 =	sld [smem:$0x3FFC];
	_ =	sdelay $0x3  }
0x94: {  	_ =	strace s3  }
0x95: {  	s3 =	sld [smem:$0x3FFD];
	_ =	sdelay $0x3  }
0x96: {  	_ =	strace s3  }
0x97: {  	_ =	strace $0x8FFFFFFF  }
0x98: {  	s19 =	sld [smem:$0x3FDB];
	_ =	sdelay $0x1  }
0x99: {  	s4 =	simm.s32 $_scs_section_size  }
0x9a: {  	s5 =	simm.s32 $_size__tile_overlayer_lowered;
	s6 =	simm.s32 $_tile_overlayer_lowered  }
0x9b: {  	s22 =	simm.s32 $0x1BFF;
	s21 =	sshll.u32 s6, $0x1;
	s3 =	sadd.s32 s4, s19  }
0x9c: {  	s7 =	simm.s32 $0x0;
	s20 =	sshll.u32 s5, $0x1;
	s5 =	sadd.s32 s21, s3  }
0x9d: {  	[timem:s7], [sflag:s22] =	dma.local [hbm:s5], s20  }
0x9e: {  	_ =	swait.ge [sflag:s22], s20  }
0x9f: {  	s4 =	ssub.s32 $0x0, s20;
	[sflag:s22] =	ssyncset.done $0x0  }
0xa0: {  	[sflag:s22] =	ssyncadd.s32 s4;
	_ =	sdelay $0x1  }
0xa1: {  	s23 =	simm.s32 $0x1B8B  }
0xa2: {  	_ =	swait.ge [sflag:s23], $0x1  }
0xa3: {  	[sflag:s23] =	ssyncset.done $0x0  }
0xa4: {  	s25 =	simm.s32 $0x1B8E;
	s24 =	sld [smem:$0x3FFE];
	[sflag:s23] =	ssyncadd.s32 $0xFFFFFFFF  }
0xa5: {  	s26 =	simm.s32 $execute0_lowered;
	[smem:$0x3FD2] =	sst s25  }
0xa6: {  	s5 =	sshll.u32 s26, $0x1;
	_ =	strace $0x80000046;
	[dreg:$0x1] =	wrdreg $0xFFFFFFFF  }
0xa7: {  	s28 =	simm.s32 $_size_execute0_lowered;
	s3 =	sadd.s32 s3, s5;
	[dreg:$0x0] =	wrdreg $0x0  }
0xa8: {  	s5 =	sshll.u32 s28, $0x1;
	[dreg:$0x2] =	wrdreg s3  }
0xa9: {  	[dreg:$0x3] =	wrdreg s5  }
0xaa: {  	[dreg:$0x4] =	wrdreg $0xC0  }
0xab: {  	_ =	task [dreg:s7], $0x5FFFF  }
0xac: {  	[dreg:$0x1] =	wrdreg $0xFFFFFFFF  }
0xad: {  	[dreg:$0x0] =	wrdreg $0x60  }
0xae: {  	[dreg:$0x2] =	wrdreg s24  }
0xaf: {  	[dreg:$0x3] =	wrdreg s2  }
0xb0: {  	[dreg:$0x4] =	wrdreg $0xA8000  }
0xb1: {  	[dreg:$0x5] =	wrdreg $0x9  }
0xb2: {  	_ =	task.clear_ibuf [dreg:s7], $0x6FFFF;
	_ =	strace $0x90000046  }
0xb3: {  	s29 =	simm.s32 $0x9;
	_ =	strace $0x80000048  }
0xb4: {  	_ =	swait.ge [sflag:s29], $0x1  }
0xb5: {  	[sflag:s29] =	ssyncadd.s32 $0xFFFFFFFF  }
0xb6: {  	_ =	strace $0x90000048  }
0xb7: {  	_ =	sfence  }
0xb8: {  	s30 =	sld [smem:$0x0];
	_ =	sdelay $0x2  }
0xb9: {  	s31 =	sshll.u32 s1, $0xD;
	s1 =	sshrl.u32 s1, $0x2  }
0xba: {  	s3 =	sand.u32 $0x4000, s31;
	s1 =	sadd.s32 s1, s30  }
0xbb: {  	s0 =	sor.u32 s3, s0;
	s1 =	sshll.u32 s1, $0x11  }
0xbc: {  	s0 =	sor.u32 s1, s0  }
0xbd: {  	s0 =	sadd.s32 $0x8F2B, s0  }
0xbe: {  	[sflag:s0] =	ssyncadd.remote.s32 $0x1  }
0xbf: {  	_ =	sfence.sel $0xFFFF  }
0xc0: {  	[dreg:$0x0] =	wrdreg $0xFFFFFFFF;
	(pc) =	sbr.abs _section_cstart, $3  }
0xc1: {  	[dreg:$0x1] =	wrdreg $0xFFFFFFFF  }
0xc2: {  	_ =	task.clear_ibuf [dreg:s7], $0x2FFFF;
	_ =	strace $0x9FFFFFFF  }
0xc3: {  	(tm) =	ssettm $0x7FFFFFFF  }
tec
execute0_lowered:
.L_overlay_start_1:
0x0: {  	(tag) =	ssettag $0x1  }
0x1: {  	s0 =	rddreg [dreg:$0x0]  }
0x2: {  	s2 =	rddreg [dreg:$0x1]  }
0x3: {  	s1 =	rddreg [dreg:$0x2];
	s3 =	srdreg.scid;
	s4 =	simm.s32 $0x0  }
0x4: {  	s10 =	stileid.u32;
	s28 =	simm.s32 $0x80;
	s29 =	simm.s32 $0x2800  }
0x5: {  	s30 =	simm.s32 $0x1;
	s31 =	simm.s32 $0x2;
	s3 =	sand.u32 $0x1, s3  }
0x6: {  	[smem:$0x7FF] =	sst s4;
	s4 =	sadd.s32 $0xB400, s0;
	s12 =	smul.u32 $0x4E000, s10  }
0x7: {  	s7 =	sadd.s32 $0x1400, s0;
	s0 =	sadd.s32 $0x33600, s0;
	s19 =	smul.u32 $0x13800, s10  }
0x8: {  	p0 =	sne.s32 s10, $0x0;
	s14 =	sshll.u32 s3, $0x4;
	_ =	strace $0x80000047  }
0x9: {  	s6 =	ssub.s32 $0x2, s3;
	s3 =	smul.u32 $0x138800, s3;
	s5 =	sor.u32 s10, s14  }
0xa: {  	s8 =	sshrl.u32 s6, $0x1;
	s21 =	sshrl.u32 s12, $0x2;
	s22 =	sadd.s32 $0x3400, s19  }
0xb: {  	s23 =	sadd.s32 $0x6800, s19;
	s24 =	sadd.s32 $0x9C00, s19;
	s25 =	sadd.s32 $0xD000, s19  }
0xc: {  	s5 =	smul.u32 $0x2800, s5;
	s6 =	ssub.s32 s6, s8;
	s17 =	sshrl.u32 s3, $0x3  }
0xd: {  	s12 =	sadd.s32 s21, s1;
	s13 =	sadd.s32 s22, s1;
	s14 =	sadd.s32 s23, s1  }
0xe: {  	s21 =	sadd.s32 $0x10400, s19;
	s26 =	sadd.s32 s3, s25;
	s18 =	sadd.s32 s0, s17  }
0xf: {  	s20 =	smax.u32 s6, $0x1;
	s17 =	sadd.s32 s21, s1;
	s6 =	sadd.s32 s3, s22  }
0x10: {  	s15 =	sshrl.u32 s5, $0x3;
	s5 =	sadd.s32 $0x138000, s1;
	[dreg:$0x9] =	wrdreg s20  }
0x11: {  	s6 =	sshrl.u32 s6, $0x3;
	s9 =	sadd.s32 s2, s15;
	s16 =	sadd.s32 s7, s15  }
0x12: {  	s8 =	sadd.s32 $0x280, s15;
	s15 =	sadd.s32 s24, s1;
	[dreg:$0x4] =	wrdreg s9  }
0x13: {  	[dreg:$0x5] =	wrdreg s16;
	s2 =	sadd.s32 s2, s8;
	s7 =	sadd.s32 s7, s8  }
0x14: {  	s16 =	sadd.s32 s25, s1;
	s9 =	sadd.s32 s3, s19;
	s19 =	sadd.s32 s0, s6  }
0x15: {  	s6 =	sshrl.u32 s26, $0x3;
	s25 =	simm.s32 $0x3;
	[dreg:$0x6] =	wrdreg s2  }
0x16: {  	s26 =	simm.s32 $0x1400;
	[dreg:$0x7] =	wrdreg s7;
	s2 =	sadd.s32 $0x27000, s18  }
0x17: {  	s7 =	sadd.s32 s3, s23;
	s9 =	sshrl.u32 s9, $0x3;
	s22 =	sadd.s32 s0, s6  }
0x18: {  	s6 =	simm.s32 $0x0;
	[dreg:$0x8] =	wrdreg s2;
	s7 =	sshrl.u32 s7, $0x3  }
0x19: {  	s18 =	sadd.s32 s0, s9;
	s2 =	sadd.s32 s3, s24;
	s3 =	sadd.s32 s3, s21  }
0x1a: {  	s24 =	simm.s32 $0x6800;
	s2 =	sshrl.u32 s2, $0x3;
	s3 =	sshrl.u32 s3, $0x3  }
0x1b: {  	s20 =	sadd.s32 s0, s7;
	s21 =	sadd.s32 s0, s2;
	s23 =	sadd.s32 s0, s3  }
0x1c: {  	v0 =	vimm.f32 $0.0e+00;
	s0 =	simm.s32 $0x1380;
	s3 =	simm.s32 $0x2700;
	s2 =	simm.s32 $0x2780  }
.LBB2_1:
0x1d: {  	s8 =	simm.s32 $0x0  }
0x1e: {  	s7 =	sand.u32 $0xFE00, s8  }
0x1f: {  	s8 =	sand.u32 $0x70, s8;
	s9 =	sshrl.u32 s7, $0x2  }
0x20: {  	s7 =	simm.s32 $0x40;
	s9 =	sor.u32 s8, s9;
	s8 =	simm.s32 $0x0  }
.LBB2_2:
0x21: {  	p1 =	sne.s32 s7, $0xCFC0  }
0x22: {  	[tilespmem:s9+$0x6800] =	vst v0;
	s8 =	sadd.s32 $0x10, s8;
	s9 =	smov.u32 s7;
	s7 =	sadd.s32 $0x40, s7  }
.Ltmp0:
0x23: {  	(pc) =	sbr.rel @p1 .LBB2_2-.Ltmp0, $4  }
0x24: {  	_ = 	snop  }
0x25: {  	s9 =	sand.u32 $0xFE00, s9  }
0x26: {  	s10 =	sand.u32 $0x70, s8;
	s9 =	sshrl.u32 s9, $0x2  }
0x27: {  	s9 =	sor.u32 s10, s9  }
0x28: {  	[tilespmem:s9+$0x6800] =	vst v0  }
0x29: {  	[spmem:s12] =	stream.linear.scatter [tilespmem:s24], [sflag:$0x3], $0x3400, $0x38;
	[tilespmem:$0x1E880] =	vst v63  }
0x2a: {  	_ =	swait.ge [sflag:s25], $0x3400  }
0x2b: {  	[sflag:s25] =	ssyncset.done $0x0  }
0x2c: {  	[sflag:s25] =	ssyncadd.s32 $0xFFFFCC00  }
0x2d: {  	[spmem:s13] =	stream.linear.scatter [tilespmem:s24], [sflag:$0x3], $0x3400, $0x38;
	[tilespmem:$0x1E880] =	vst v63  }
0x2e: {  	_ =	swait.ge [sflag:s25], $0x3400  }
0x2f: {  	[sflag:s25] =	ssyncset.done $0x0  }
0x30: {  	[sflag:s25] =	ssyncadd.s32 $0xFFFFCC00  }
0x31: {  	[spmem:s14] =	stream.linear.scatter [tilespmem:s24], [sflag:$0x3], $0x3400, $0x38;
	[tilespmem:$0x1E880] =	vst v63  }
0x32: {  	_ =	swait.ge [sflag:s25], $0x3400  }
0x33: {  	[sflag:s25] =	ssyncset.done $0x0  }
0x34: {  	[sflag:s25] =	ssyncadd.s32 $0xFFFFCC00  }
0x35: {  	[spmem:s15] =	stream.linear.scatter [tilespmem:s24], [sflag:$0x3], $0x3400, $0x38;
	[tilespmem:$0x1E880] =	vst v63  }
0x36: {  	_ =	swait.ge [sflag:s25], $0x3400  }
0x37: {  	[sflag:s25] =	ssyncset.done $0x0  }
0x38: {  	[sflag:s25] =	ssyncadd.s32 $0xFFFFCC00  }
0x39: {  	[spmem:s16] =	stream.linear.scatter [tilespmem:s24], [sflag:$0x3], $0x3400, $0x38;
	[tilespmem:$0x1E880] =	vst v63  }
0x3a: {  	_ =	swait.ge [sflag:s25], $0x3400  }
0x3b: {  	[sflag:s25] =	ssyncset.done $0x0  }
0x3c: {  	[sflag:s25] =	ssyncadd.s32 $0xFFFFCC00  }
0x3d: {  	[spmem:s17] =	stream.linear.scatter [tilespmem:s24], [sflag:$0x3], $0x3400, $0x38;
	[tilespmem:$0x1E880] =	vst v63  }
0x3e: {  	_ =	swait.ge [sflag:s25], $0x3400  }
0x3f: {  	[sflag:s25] =	ssyncset.done $0x0  }
0x40: {  	s7 =	simm.s32 @!p0 $0x6800;
	[sflag:s25] =	ssyncadd.s32 $0xFFFFCC00  }
0x41: {  	[spmem:s5] =	stream.linear.scatter @!p0 [tilespmem:s7], [sflag:$0x3], $0x800, $0x38;
	[tilespmem:$0x1E880] =	vst v63  }
0x42: {  	s7 =	simm.s32 @!p0 $0x3  }
0x43: {  	_ =	swait.ge @!p0 [sflag:s7], $0x800  }
0x44: {  	[sflag:s7] =	ssyncset.done @!p0 $0x0  }
0x45: {  	[sflag:s7] =	ssyncadd.s32 @!p0 $0xFFFFF800  }
0x46: {  	[bflag:$0x0] =	sbarrier.arrive $0xFFFF  }
0x47: {  	s10 =	simm.s32 $0x0;
	s8 =	rddreg [dreg:$0x4]  }
0x48: {  	[tilespmem:s10], [sflag:$0x3] =	stream.linear.gather [hbm4b:s8+s10], $0x1400, $0x38;
	[tilespmem:$0x1E880] =	vst v63  }
0x49: {  	_ =	swait.ge [sflag:s25], $0x1400  }
0x4a: {  	[sflag:s25] =	ssyncset.done $0x0  }
0x4b: {  	s11 =	rddreg [dreg:$0x5];
	[sflag:s25] =	ssyncadd.s32 $0xFFFFEC00  }
0x4c: {  	[tilespmem:s26], [sflag:$0x3] =	stream.linear.gather [hbm4b:s11+s10], $0x1400, $0x38;
	[tilespmem:$0x1E880] =	vst v63  }
0x4d: {  	_ =	swait.ge [sflag:s25], $0x1400  }
0x4e: {  	[sflag:s25] =	ssyncset.done $0x0  }
0x4f: {  	[sflag:s25] =	ssyncadd.s32 $0xFFFFEC00  }
0x50: {  	[tilespmem:s29], [sflag:$0x1] =	stream.indirect.gather [hbm4b:s4+s28], $0x80, s10, s28, $0xb8;
	[tilespmem:$0x1E880] =	vst v63  }
0x51: {  	s8 =	simm.s32 $0x80  }
0x52: {  	[tilespmem:s24], [sflag:$0x2] =	stream.indirect.gather [hbm4b:s4+s28], $0x80, s8, s28, $0xb8;
	[tilespmem:$0x1E880] =	vst v63  }
0x53: {  	_ =	swait.ge [sflag:s30], $0x4000  }
0x54: {  	[sflag:s30] =	ssyncset.done $0x0  }
0x55: {  	s9 =	simm.s32 $0x1400;
	[sflag:s30] =	ssyncadd.s32 $0xFFFFC000  }
0x56: {  	[spmem:s1] =	stream.indirect.scatter.add.f32 [tilespmem:s29], [sflag:$0x3], $0x80, s9, s28, $0xb8;
	[tilespmem:$0x1E880] =	vst v63  }
0x57: {  	_ =	swait.ge [sflag:s25], $0x4000  }
0x58: {  	[sflag:s25] =	ssyncset.done $0x0  }
0x59: {  	s10 =	simm.s32 $0x100;
	[sflag:s25] =	ssyncadd.s32 $0xFFFFC000  }
0x5a: {  	[tilespmem:s29], [sflag:$0x1] =	stream.indirect.gather [hbm4b:s4+s28], $0x80, s10, s28, $0xb8;
	[tilespmem:$0x1E880] =	vst v63  }
0x5b: {  	_ =	swait.ge [sflag:s31], $0x4000  }
0x5c: {  	[sflag:s31] =	ssyncset.done $0x0  }
0x5d: {  	s11 =	simm.s32 $0x1480;
	[sflag:s31] =	ssyncadd.s32 $0xFFFFC000  }
0x5e: {  	[spmem:s1] =	stream.indirect.scatter.add.f32 [tilespmem:s24], [sflag:$0x3], $0x80, s11, s28, $0xb8;
	[tilespmem:$0x1E880] =	vst v63  }
0x5f: {  	_ =	swait.ge [sflag:s25], $0x4000  }
0x60: {  	s7 =	simm.s32 $0x100;
	s8 =	simm.s32 $0x800;
	[sflag:s25] =	ssyncset.done $0x0  }
.LBB2_4:
0x61: {  	s9 =	sadd.s32 $0x80, s7  }
0x62: {  	[sflag:s25] =	ssyncadd.s32 $0xFFFFC000;
	s10 =	smov.u32 s8;
	s11 =	sadd.s32 $0x400, s8  }
0x63: {  	[tilespmem:s24], [sflag:$0x2] =	stream.indirect.gather [hbm4b:s4+s28], $0x80, s9, s28, $0xb8;
	[tilespmem:$0x1E880] =	vst v63  }
0x64: {  	p1 =	sne.s32 s8, $0x4800;
	_ =	swait.ge [sflag:s30], $0x4000  }
0x65: {  	[sflag:s30] =	ssyncset.done $0x0  }
0x66: {  	s8 =	sadd.s32 $0x1400, s7;
	[sflag:s30] =	ssyncadd.s32 $0xFFFFC000  }
0x67: {  	[spmem:s1] =	stream.indirect.scatter.add.f32 [tilespmem:s29], [sflag:$0x3], $0x80, s8, s28, $0xb8;
	[tilespmem:$0x1E880] =	vst v63  }
0x68: {  	_ =	swait.ge [sflag:s25], $0x4000  }
0x69: {  	[sflag:s25] =	ssyncset.done $0x0  }
0x6a: {  	s8 =	sadd.s32 $0x100, s7;
	[sflag:s25] =	ssyncadd.s32 $0xFFFFC000  }
0x6b: {  	[tilespmem:s29], [sflag:$0x1] =	stream.indirect.gather [hbm4b:s4+s28], $0x80, s8, s28, $0xb8;
	[tilespmem:$0x1E880] =	vst v63  }
0x6c: {  	_ =	swait.ge [sflag:s31], $0x4000  }
.Ltmp1:
0x6d: {  	[sflag:s31] =	ssyncset.done $0x0;
	(pc) =	sbr.rel @p1 .LBB2_4-.Ltmp1, $4  }
0x6e: {  	s7 =	sadd.s32 $0x1480, s7;
	[sflag:s31] =	ssyncadd.s32 $0xFFFFC000  }
0x6f: {  	[spmem:s1] =	stream.indirect.scatter.add.f32 [tilespmem:s24], [sflag:$0x3], $0x80, s7, s28, $0xb8;
	[tilespmem:$0x1E880] =	vst v63  }
0x70: {  	_ =	swait.ge [sflag:s25], $0x4000  }
0x71: {  	s8 =	smov.u32 s11;
	s7 =	sshra.s32 s10, $0x2;
	[sflag:s25] =	ssyncset.done $0x0  }
0x72: {  	s8 =	sadd.s32 $0x80, s7;
	[sflag:s25] =	ssyncadd.s32 $0xFFFFC000  }
0x73: {  	[tilespmem:s24], [sflag:$0x2] =	stream.indirect.gather [hbm4b:s4+s28], $0x80, s8, s28, $0xb8;
	[tilespmem:$0x1E880] =	vst v63  }
0x74: {  	_ =	swait.ge [sflag:s30], $0x4000  }
0x75: {  	[sflag:s30] =	ssyncset.done $0x0  }
0x76: {  	s10 =	sadd.s32 $0x1400, s7;
	[sflag:s30] =	ssyncadd.s32 $0xFFFFC000  }
0x77: {  	[spmem:s1] =	stream.indirect.scatter.add.f32 [tilespmem:s29], [sflag:$0x3], $0x80, s10, s28, $0xb8;
	[tilespmem:$0x1E880] =	vst v63  }
0x78: {  	_ =	swait.ge [sflag:s25], $0x4000  }
0x79: {  	[sflag:s25] =	ssyncset.done $0x0  }
0x7a: {  	s11 =	sadd.s32 $0x100, s7;
	[sflag:s25] =	ssyncadd.s32 $0xFFFFC000  }
0x7b: {  	[tilespmem:s29], [sflag:$0x1] =	stream.indirect.gather [hbm4b:s4+s28], $0x80, s11, s28, $0xb8;
	[tilespmem:$0x1E880] =	vst v63  }
0x7c: {  	_ =	swait.ge [sflag:s31], $0x4000  }
0x7d: {  	[sflag:s31] =	ssyncset.done $0x0  }
0x7e: {  	s8 =	sadd.s32 $0x1480, s7;
	[sflag:s31] =	ssyncadd.s32 $0xFFFFC000  }
0x7f: {  	[spmem:s1] =	stream.indirect.scatter.add.f32 [tilespmem:s24], [sflag:$0x3], $0x80, s8, s28, $0xb8;
	[tilespmem:$0x1E880] =	vst v63  }
0x80: {  	_ =	swait.ge [sflag:s25], $0x4000  }
0x81: {  	[sflag:s25] =	ssyncset.done $0x0  }
0x82: {  	[sflag:s25] =	ssyncadd.s32 $0xFFFFC000  }
0x83: {  	[tilespmem:s24], [sflag:$0x2] =	stream.indirect.gather [hbm4b:s4+s28], $0x80, s0, s28, $0xb8;
	[tilespmem:$0x1E880] =	vst v63  }
0x84: {  	_ =	swait.ge [sflag:s30], $0x4000  }
0x85: {  	[sflag:s30] =	ssyncset.done $0x0  }
0x86: {  	[sflag:s30] =	ssyncadd.s32 $0xFFFFC000  }
0x87: {  	[spmem:s1] =	stream.indirect.scatter.add.f32 [tilespmem:s29], [sflag:$0x3], $0x80, s3, s28, $0xb8;
	[tilespmem:$0x1E880] =	vst v63  }
0x88: {  	_ =	swait.ge [sflag:s25], $0x4000  }
0x89: {  	[sflag:s25] =	ssyncset.done $0x0  }
0x8a: {  	[sflag:s25] =	ssyncadd.s32 $0xFFFFC000  }
0x8b: {  	_ =	swait.ge [sflag:s31], $0x4000  }
0x8c: {  	[sflag:s31] =	ssyncset.done $0x0  }
0x8d: {  	[sflag:s31] =	ssyncadd.s32 $0xFFFFC000  }
0x8e: {  	[spmem:s1] =	stream.indirect.scatter.add.f32 [tilespmem:s24], [sflag:$0x3], $0x80, s2, s28, $0xb8;
	[tilespmem:$0x1E880] =	vst v63  }
0x8f: {  	_ =	swait.ge [sflag:s25], $0x4000  }
0x90: {  	[sflag:s25] =	ssyncset.done $0x0  }
0x91: {  	s9 =	simm.s32 $0x0;
	s10 =	rddreg [dreg:$0x6];
	[sflag:s25] =	ssyncadd.s32 $0xFFFFC000  }
0x92: {  	[tilespmem:s9], [sflag:$0x3] =	stream.linear.gather [hbm4b:s10+s9], $0x1400, $0x38;
	[tilespmem:$0x1E880] =	vst v63  }
0x93: {  	_ =	swait.ge [sflag:s25], $0x1400  }
0x94: {  	[sflag:s25] =	ssyncset.done $0x0  }
0x95: {  	s11 =	rddreg [dreg:$0x7];
	[sflag:s25] =	ssyncadd.s32 $0xFFFFEC00  }
0x96: {  	[tilespmem:s26], [sflag:$0x3] =	stream.linear.gather [hbm4b:s11+s9], $0x1400, $0x38;
	[tilespmem:$0x1E880] =	vst v63  }
0x97: {  	_ =	swait.ge [sflag:s25], $0x1400  }
0x98: {  	[sflag:s25] =	ssyncset.done $0x0  }
0x99: {  	[sflag:s25] =	ssyncadd.s32 $0xFFFFEC00  }
0x9a: {  	[tilespmem:s29], [sflag:$0x1] =	stream.indirect.gather [hbm4b:s4+s28], $0x80, s9, s28, $0xb8;
	[tilespmem:$0x1E880] =	vst v63  }
0x9b: {  	s8 =	simm.s32 $0x80  }
0x9c: {  	[tilespmem:s24], [sflag:$0x2] =	stream.indirect.gather [hbm4b:s4+s28], $0x80, s8, s28, $0xb8;
	[tilespmem:$0x1E880] =	vst v63  }
0x9d: {  	_ =	swait.ge [sflag:s30], $0x4000  }
0x9e: {  	[sflag:s30] =	ssyncset.done $0x0  }
0x9f: {  	s9 =	simm.s32 $0x1400;
	[sflag:s30] =	ssyncadd.s32 $0xFFFFC000  }
0xa0: {  	[spmem:s1] =	stream.indirect.scatter.add.f32 [tilespmem:s29], [sflag:$0x3], $0x80, s9, s28, $0xb8;
	[tilespmem:$0x1E880] =	vst v63  }
0xa1: {  	_ =	swait.ge [sflag:s25], $0x4000  }
0xa2: {  	[sflag:s25] =	ssyncset.done $0x0  }
0xa3: {  	s10 =	simm.s32 $0x100;
	[sflag:s25] =	ssyncadd.s32 $0xFFFFC000  }
0xa4: {  	[tilespmem:s29], [sflag:$0x1] =	stream.indirect.gather [hbm4b:s4+s28], $0x80, s10, s28, $0xb8;
	[tilespmem:$0x1E880] =	vst v63  }
0xa5: {  	_ =	swait.ge [sflag:s31], $0x4000  }
0xa6: {  	[sflag:s31] =	ssyncset.done $0x0  }
0xa7: {  	s11 =	simm.s32 $0x1480;
	[sflag:s31] =	ssyncadd.s32 $0xFFFFC000  }
0xa8: {  	[spmem:s1] =	stream.indirect.scatter.add.f32 [tilespmem:s24], [sflag:$0x3], $0x80, s11, s28, $0xb8;
	[tilespmem:$0x1E880] =	vst v63  }
0xa9: {  	_ =	swait.ge [sflag:s25], $0x4000  }
0xaa: {  	s7 =	simm.s32 $0x100;
	s8 =	simm.s32 $0x800;
	[sflag:s25] =	ssyncset.done $0x0  }
.LBB2_6:
0xab: {  	s9 =	sadd.s32 $0x80, s7  }
0xac: {  	[sflag:s25] =	ssyncadd.s32 $0xFFFFC000;
	s10 =	smov.u32 s8;
	s11 =	sadd.s32 $0x400, s8  }
0xad: {  	[tilespmem:s24], [sflag:$0x2] =	stream.indirect.gather [hbm4b:s4+s28], $0x80, s9, s28, $0xb8;
	[tilespmem:$0x1E880] =	vst v63  }
0xae: {  	p1 =	sne.s32 s8, $0x4800;
	_ =	swait.ge [sflag:s30], $0x4000  }
0xaf: {  	[sflag:s30] =	ssyncset.done $0x0  }
0xb0: {  	s8 =	sadd.s32 $0x1400, s7;
	[sflag:s30] =	ssyncadd.s32 $0xFFFFC000  }
0xb1: {  	[spmem:s1] =	stream.indirect.scatter.add.f32 [tilespmem:s29], [sflag:$0x3], $0x80, s8, s28, $0xb8;
	[tilespmem:$0x1E880] =	vst v63  }
0xb2: {  	_ =	swait.ge [sflag:s25], $0x4000  }
0xb3: {  	[sflag:s25] =	ssyncset.done $0x0  }
0xb4: {  	s8 =	sadd.s32 $0x100, s7;
	[sflag:s25] =	ssyncadd.s32 $0xFFFFC000  }
0xb5: {  	[tilespmem:s29], [sflag:$0x1] =	stream.indirect.gather [hbm4b:s4+s28], $0x80, s8, s28, $0xb8;
	[tilespmem:$0x1E880] =	vst v63  }
0xb6: {  	_ =	swait.ge [sflag:s31], $0x4000  }
.Ltmp2:
0xb7: {  	[sflag:s31] =	ssyncset.done $0x0;
	(pc) =	sbr.rel @p1 .LBB2_6-.Ltmp2, $4  }
0xb8: {  	s7 =	sadd.s32 $0x1480, s7;
	[sflag:s31] =	ssyncadd.s32 $0xFFFFC000  }
0xb9: {  	[spmem:s1] =	stream.indirect.scatter.add.f32 [tilespmem:s24], [sflag:$0x3], $0x80, s7, s28, $0xb8;
	[tilespmem:$0x1E880] =	vst v63  }
0xba: {  	_ =	swait.ge [sflag:s25], $0x4000  }
0xbb: {  	s8 =	smov.u32 s11;
	s7 =	sshra.s32 s10, $0x2;
	[sflag:s25] =	ssyncset.done $0x0  }
0xbc: {  	s8 =	sadd.s32 $0x80, s7;
	[sflag:s25] =	ssyncadd.s32 $0xFFFFC000  }
0xbd: {  	[tilespmem:s24], [sflag:$0x2] =	stream.indirect.gather [hbm4b:s4+s28], $0x80, s8, s28, $0xb8;
	[tilespmem:$0x1E880] =	vst v63  }
0xbe: {  	_ =	swait.ge [sflag:s30], $0x4000  }
0xbf: {  	[sflag:s30] =	ssyncset.done $0x0  }
0xc0: {  	s10 =	sadd.s32 $0x1400, s7;
	[sflag:s30] =	ssyncadd.s32 $0xFFFFC000  }
0xc1: {  	[spmem:s1] =	stream.indirect.scatter.add.f32 [tilespmem:s29], [sflag:$0x3], $0x80, s10, s28, $0xb8;
	[tilespmem:$0x1E880] =	vst v63  }
0xc2: {  	_ =	swait.ge [sflag:s25], $0x4000  }
0xc3: {  	[sflag:s25] =	ssyncset.done $0x0  }
0xc4: {  	s11 =	sadd.s32 $0x100, s7;
	[sflag:s25] =	ssyncadd.s32 $0xFFFFC000  }
0xc5: {  	[tilespmem:s29], [sflag:$0x1] =	stream.indirect.gather [hbm4b:s4+s28], $0x80, s11, s28, $0xb8;
	[tilespmem:$0x1E880] =	vst v63  }
0xc6: {  	_ =	swait.ge [sflag:s31], $0x4000  }
0xc7: {  	[sflag:s31] =	ssyncset.done $0x0  }
0xc8: {  	s9 =	sadd.s32 $0x1480, s7;
	[sflag:s31] =	ssyncadd.s32 $0xFFFFC000  }
0xc9: {  	[spmem:s1] =	stream.indirect.scatter.add.f32 [tilespmem:s24], [sflag:$0x3], $0x80, s9, s28, $0xb8;
	[tilespmem:$0x1E880] =	vst v63  }
0xca: {  	_ =	swait.ge [sflag:s25], $0x4000  }
0xcb: {  	[sflag:s25] =	ssyncset.done $0x0  }
0xcc: {  	[sflag:s25] =	ssyncadd.s32 $0xFFFFC000  }
0xcd: {  	[tilespmem:s24], [sflag:$0x2] =	stream.indirect.gather [hbm4b:s4+s28], $0x80, s0, s28, $0xb8;
	[tilespmem:$0x1E880] =	vst v63  }
0xce: {  	_ =	swait.ge [sflag:s30], $0x4000  }
0xcf: {  	[sflag:s30] =	ssyncset.done $0x0  }
0xd0: {  	[sflag:s30] =	ssyncadd.s32 $0xFFFFC000  }
0xd1: {  	[spmem:s1] =	stream.indirect.scatter.add.f32 [tilespmem:s29], [sflag:$0x3], $0x80, s3, s28, $0xb8;
	[tilespmem:$0x1E880] =	vst v63  }
0xd2: {  	_ =	swait.ge [sflag:s25], $0x4000  }
0xd3: {  	[sflag:s25] =	ssyncset.done $0x0  }
0xd4: {  	[sflag:s25] =	ssyncadd.s32 $0xFFFFC000  }
0xd5: {  	_ =	swait.ge [sflag:s31], $0x4000  }
0xd6: {  	[sflag:s31] =	ssyncset.done $0x0  }
0xd7: {  	[sflag:s31] =	ssyncadd.s32 $0xFFFFC000  }
0xd8: {  	[spmem:s1] =	stream.indirect.scatter.add.f32 [tilespmem:s24], [sflag:$0x3], $0x80, s2, s28, $0xb8;
	[tilespmem:$0x1E880] =	vst v63  }
0xd9: {  	_ =	swait.ge [sflag:s25], $0x4000  }
0xda: {  	s10 =	stileid.u32;
	[sflag:s25] =	ssyncset.done $0x0  }
0xdb: {  	s7 =	sshll.u32 s10, $0x6;
	[sflag:s25] =	ssyncadd.s32 $0xFFFFC000  }
0xdc: {  	s7 =	sor.u32 $0x1C03, s7;
	s11 =	sshrl.u32 s12, $0x3;
	[bflag:$0x0] =	sbarrier.arrive $0xFFFF  }
0xdd: {  	[hbm:s18], [sflag:s7] =	dma.local [spmem:s11], $0x680  }
0xde: {  	_ =	swait.ge [sflag:s25], $0x680  }
0xdf: {  	[sflag:s25] =	ssyncset.done $0x0  }
0xe0: {  	s9 =	sshrl.u32 s13, $0x3;
	[sflag:s25] =	ssyncadd.s32 $0xFFFFF980  }
0xe1: {  	[hbm:s19], [sflag:s7] =	dma.local [spmem:s9], $0x680  }
0xe2: {  	_ =	swait.ge [sflag:s25], $0x680  }
0xe3: {  	[sflag:s25] =	ssyncset.done $0x0  }
0xe4: {  	s10 =	sshrl.u32 s14, $0x3;
	[sflag:s25] =	ssyncadd.s32 $0xFFFFF980  }
0xe5: {  	[hbm:s20], [sflag:s7] =	dma.local [spmem:s10], $0x680  }
0xe6: {  	_ =	swait.ge [sflag:s25], $0x680  }
0xe7: {  	[sflag:s25] =	ssyncset.done $0x0  }
0xe8: {  	s11 =	sshrl.u32 s15, $0x3;
	[sflag:s25] =	ssyncadd.s32 $0xFFFFF980  }
0xe9: {  	[hbm:s21], [sflag:s7] =	dma.local [spmem:s11], $0x680  }
0xea: {  	_ =	swait.ge [sflag:s25], $0x680  }
0xeb: {  	[sflag:s25] =	ssyncset.done $0x0  }
0xec: {  	s9 =	sshrl.u32 s16, $0x3;
	[sflag:s25] =	ssyncadd.s32 $0xFFFFF980  }
0xed: {  	[hbm:s22], [sflag:s7] =	dma.local [spmem:s9], $0x680  }
0xee: {  	_ =	swait.ge [sflag:s25], $0x680  }
0xef: {  	[sflag:s25] =	ssyncset.done $0x0  }
0xf0: {  	s10 =	sshrl.u32 s17, $0x3;
	[sflag:s25] =	ssyncadd.s32 $0xFFFFF980  }
0xf1: {  	[hbm:s23], [sflag:s7] =	dma.local [spmem:s10], $0x680  }
0xf2: {  	_ =	swait.ge [sflag:s25], $0x680  }
0xf3: {  	s8 =	simm.s32 @!p0 $0x1C03;
	[sflag:s25] =	ssyncset.done $0x0  }
0xf4: {  	s7 =	sshrl.u32 @!p0 s5, $0x3;
	s9 =	rddreg [dreg:$0x8];
	[sflag:s25] =	ssyncadd.s32 $0xFFFFF980  }
0xf5: {  	[hbm:s9], [sflag:s8] =	dma.local @!p0 [spmem:s7], $0x100  }
0xf6: {  	s7 =	simm.s32 @!p0 $0x3  }
0xf7: {  	_ =	swait.ge @!p0 [sflag:s7], $0x100  }
0xf8: {  	s6 =	sadd.s32 $0x1, s6;
	s11 =	rddreg [dreg:$0x9]  }
0xf9: {  	p1 =	sne.s32 s6, s11  }
.Ltmp3:
0xfa: {  	_ = 	snop;
	(pc) =	sbr.rel @p1 .LBB2_1-.Ltmp3, $3  }
0xfb: {  	_ =	sdelay $0x1  }
0xfc: {  	[sflag:s7] =	ssyncset.done @!p0 $0x0  }
0xfd: {  	[sflag:s7] =	ssyncadd.s32 @!p0 $0xFFFFFF00  }
0xfe: {  	_ =	sfence.sel $0x180000  }
0xff: {  	[bflag:$0x0] =	sbarrier.arrive $0xFFFF  }
0x100: {  	_ =	strace $0x90000047  }
0x101: {  	[bflag:$0x2] =	sbarrier.arrive $0xFFFF  }
0x102: {  	s0 =	rddreg [dreg:$0x3]  }
0x103: {  	s0 =	sadd.s32 @!p0 $0x100000, s0  }
0x104: {  	[sflag:s0] =	ssyncadd.tile.s32 @!p0 $0x1;
	_ =	shalt  }
.Lfunc_end2:
_tile_overlayer_lowered:
.L_overlay_start_2:
0x105: {  	(tag) =	ssettag $0x2  }
0x106: {  	s0 =	rddreg [dreg:$0x0];
	s2 =	stileid.u32  }
0x107: {  	s1 =	rddreg [dreg:$0x1];
	p0 =	sne.s32 s2, $0x0  }
0x108: {  	s3 =	rddreg [dreg:$0x2];
	[bflag:$0x3] =	sbarrier.arrive $0xFFFF;
	s2 =	simm.s32 @!p0 $0x1C03  }
0x109: {  	[timem:s3], [sflag:s2] =	dma.local @!p0 [hbm:s0], s1  }
0x10a: {  	s0 =	simm.s32 @!p0 $0x3  }
0x10b: {  	_ =	swait.ge @!p0 [sflag:s0], s1  }
0x10c: {  	s1 =	ssub.s32 @!p0 $0x0, s1;
	[sflag:s0] =	ssyncset.done @!p0 $0x0  }
0x10d: {  	[sflag:s0] =	ssyncadd.s32 @!p0 s1  }
0x10e: {  	[bflag:$0x3] =	sbarrier.arrive $0xFFFF  }
0x10f: {  	_ =	shalt  }

</sc_bundles>
